<compile_context>
chip_gen: v7x
topology: tpu7x:2x2x1
jax: 0.10.2.dev20260603
libtpu: 0.0.44.dev20260713+nightly
codegen_flags: <defaults>
</compile_context>

<pallas_src>
import functools

import jax
import jax.numpy as jnp
from jax import lax
from jax.experimental import pallas as pl
from jax.experimental.pallas import tpu as pltpu
from jax.experimental.pallas import tpu_sc as plsc

N, C, H, W = 8, 96, 224, 224
NUM_TILES = 32
ROWS_PER_TILE = (N * C) // NUM_TILES
TILES_PER_BATCH = NUM_TILES // N
HROWS = 16
NCHUNK = H // HROWS
NLANE = W // 16


def _round_bf16(v):
    b = lax.bitcast_convert_type(v, jnp.int32)
    b = (b + 0x7FFF + ((b >> 16) & 1)) & jnp.int32(-65536)
    return lax.bitcast_convert_type(b, jnp.float32)


def _prep_body(theta_ref, y0_ref, y1_ref, x0_ref, x1_ref,
               w00_ref, w01_ref, w10_ref, w11_ref):
    t00 = theta_ref[0, 0, 0]
    t01 = theta_ref[0, 0, 1]
    t02 = theta_ref[0, 0, 2]
    t10 = theta_ref[0, 1, 0]
    t11 = theta_ref[0, 1, 1]
    t12 = theta_ref[0, 1, 2]
    xi = lax.broadcasted_iota(jnp.int32, (H, W), 1).astype(jnp.float32)
    yi = lax.broadcasted_iota(jnp.int32, (H, W), 0).astype(jnp.float32)
    xs = _round_bf16((xi + 0.5) * (2.0 / W) - 1.0)
    ys = _round_bf16((yi + 0.5) * (2.0 / H) - 1.0)
    tb = [_round_bf16(jnp.full((H, W), t, dtype=jnp.float32))
          for t in (t00, t01, t02, t10, t11, t12)]
    gx = tb[0] * xs + tb[1] * ys + tb[2]
    gy = tb[3] * xs + tb[4] * ys + tb[5]
    ix = ((gx + 1.0) * W - 1.0) * 0.5
    iy = ((gy + 1.0) * H - 1.0) * 0.5
    ix0f = jnp.floor(ix)
    iy0f = jnp.floor(iy)
    wx1 = ix - ix0f
    wx0 = 1.0 - wx1
    wy1 = iy - iy0f
    wy0 = 1.0 - wy1
    ix0 = ix0f.astype(jnp.int32)
    iy0 = iy0f.astype(jnp.int32)
    ix1 = ix0 + 1
    iy1 = iy0 + 1
    fx0 = jnp.where((ix0 >= 0) & (ix0 < W), wx0, 0.0)
    fx1 = jnp.where((ix1 >= 0) & (ix1 < W), wx1, 0.0)
    fy0 = jnp.where((iy0 >= 0) & (iy0 < H), wy0, 0.0)
    fy1 = jnp.where((iy1 >= 0) & (iy1 < H), wy1, 0.0)
    x0_ref[0] = jnp.clip(ix0, 0, W - 1)
    x1_ref[0] = jnp.clip(ix1, 0, W - 1)
    y0_ref[0] = jnp.clip(iy0, 0, H - 1)
    y1_ref[0] = jnp.clip(iy1, 0, H - 1)
    w00_ref[0] = fy0 * fx0
    w01_ref[0] = fy0 * fx1
    w10_ref[0] = fy1 * fx0
    w11_ref[0] = fy1 * fx1


def _prep(theta):
    ishape = jax.ShapeDtypeStruct((N, H, W), jnp.int32)
    fshape = jax.ShapeDtypeStruct((N, H, W), jnp.float32)
    blk = pl.BlockSpec((1, H, W), lambda n: (n, 0, 0))
    return pl.pallas_call(
        _prep_body,
        grid=(N,),
        in_specs=[pl.BlockSpec((1, 2, 3), lambda n: (n, 0, 0),
                               memory_space=pltpu.SMEM)],
        out_specs=[blk] * 8,
        out_shape=[ishape, ishape, ishape, ishape,
                   fshape, fshape, fshape, fshape],
    )(theta)


def _sc_body(x_hbm, y0_hbm, y1_hbm, x0_hbm, x1_hbm,
             w00_hbm, w01_hbm, w10_hbm, w11_hbm, out_hbm,
             img, y0b, y1b, x0b, x1b, w00b, w01b, w10b, w11b, outb,
             sem_img, sem_sb, sem_out):
    wid = lax.axis_index("s") * 2 + lax.axis_index("c")
    n = wid // TILES_PER_BATCH
    c0 = (wid % TILES_PER_BATCH) * ROWS_PER_TILE

    def chan_body(ci, _):
        c = c0 + ci
        cp_img = pltpu.make_async_copy(x_hbm.at[n, c], img, sem_img)
        cp_img.start()
        cp_img.wait()

        def chunk_body(kc, _):
            h0 = kc * HROWS
            sbs = [
                pltpu.make_async_copy(y0_hbm.at[n, pl.ds(h0, HROWS)], y0b, sem_sb),
                pltpu.make_async_copy(y1_hbm.at[n, pl.ds(h0, HROWS)], y1b, sem_sb),
                pltpu.make_async_copy(x0_hbm.at[n, pl.ds(h0, HROWS)], x0b, sem_sb),
                pltpu.make_async_copy(x1_hbm.at[n, pl.ds(h0, HROWS)], x1b, sem_sb),
                pltpu.make_async_copy(w00_hbm.at[n, pl.ds(h0, HROWS)], w00b, sem_sb),
                pltpu.make_async_copy(w01_hbm.at[n, pl.ds(h0, HROWS)], w01b, sem_sb),
                pltpu.make_async_copy(w10_hbm.at[n, pl.ds(h0, HROWS)], w10b, sem_sb),
                pltpu.make_async_copy(w11_hbm.at[n, pl.ds(h0, HROWS)], w11b, sem_sb),
            ]
            for cp in sbs:
                cp.start()
            for cp in sbs:
                cp.wait()

            def row_body(r, _):
                for vb in range(NLANE):
                    s = vb * 16
                    iy0 = y0b[r, pl.ds(s, 16)]
                    iy1 = y1b[r, pl.ds(s, 16)]
                    ix0 = x0b[r, pl.ds(s, 16)]
                    ix1 = x1b[r, pl.ds(s, 16)]
                    w00 = w00b[r, pl.ds(s, 16)]
                    w01 = w01b[r, pl.ds(s, 16)]
                    w10 = w10b[r, pl.ds(s, 16)]
                    w11 = w11b[r, pl.ds(s, 16)]
                    v00 = plsc.load_gather(img, [iy0, ix0])
                    v01 = plsc.load_gather(img, [iy0, ix1])
                    v10 = plsc.load_gather(img, [iy1, ix0])
                    v11 = plsc.load_gather(img, [iy1, ix1])
                    acc = w00 * v00 + w01 * v01 + w10 * v10 + w11 * v11
                    outb[r, pl.ds(s, 16)] = acc
                return ()

            lax.fori_loop(0, HROWS, row_body, ())
            cp_out = pltpu.make_async_copy(
                outb, out_hbm.at[n, c, pl.ds(h0, HROWS)], sem_out)
            cp_out.start()
            cp_out.wait()
            return ()

        lax.fori_loop(0, NCHUNK, chunk_body, ())
        return ()

    lax.fori_loop(0, ROWS_PER_TILE, chan_body, ())


@functools.cache
def _sc_main():
    ichunk = pltpu.VMEM((HROWS, W), jnp.int32)
    fchunk = pltpu.VMEM((HROWS, W), jnp.float32)
    return pl.kernel(
        _sc_body,
        out_type=jax.ShapeDtypeStruct((N, C, H, W), jnp.float32),
        mesh=plsc.VectorSubcoreMesh(core_axis_name="c", subcore_axis_name="s"),
        compiler_params=pltpu.CompilerParams(use_tc_tiling_on_sc=False,
                                             needs_layout_passes=False),
        scratch_types=[
            pltpu.VMEM((H, W), jnp.float32),
            ichunk, ichunk, ichunk, ichunk,
            fchunk, fchunk, fchunk, fchunk,
            fchunk,
            pltpu.SemaphoreType.DMA,
            pltpu.SemaphoreType.DMA,
            pltpu.SemaphoreType.DMA,
        ],
    )


def kernel(x, theta):
    y0, y1, x0, x1, w00, w01, w10, w11 = _prep(theta)
    return _sc_main()(x, y0, y1, x0, x1, w00, w01, w10, w11)

# --- scband reference (transcript-rebuilt; emitter-appended) ---
"""Pipeline reference for scband-model-20598663151752 (READ-ONLY COPY).

The authoritative reference and input builder live on the scoring server;
editing this copy changes nothing except your own understanding.
"""

import jax, jax.numpy as jnp
import numpy as np


def affine_grid(theta, size):
    # Faithful to torch.nn.functional.affine_grid with align_corners=False
    N, C, H, W = size
    xs = (jnp.arange(W, dtype=jnp.float32) + 0.5) * (2.0 / W) - 1.0
    ys = (jnp.arange(H, dtype=jnp.float32) + 0.5) * (2.0 / H) - 1.0
    gx, gy = jnp.meshgrid(xs, ys)  # [H, W] each ('xy' indexing)
    ones = jnp.ones_like(gx)
    base = jnp.stack([gx, gy, ones], axis=-1)  # [H, W, 3]
    grid = jnp.einsum('nij,hwj->nhwi', theta, base)  # [N, H, W, 2]
    return grid


def grid_sample_bilinear(x, grid):
    # Faithful to torch.nn.functional.grid_sample(mode='bilinear',
    # padding_mode='zeros', align_corners=False)
    N, C, H, W = x.shape
    gx = grid[..., 0]
    gy = grid[..., 1]
    # unnormalize (align_corners=False)
    ix = ((gx + 1.0) * W - 1.0) / 2.0
    iy = ((gy + 1.0) * H - 1.0) / 2.0
    ix0 = jnp.floor(ix)
    iy0 = jnp.floor(iy)
    ix1 = ix0 + 1.0
    iy1 = iy0 + 1.0
    wx1 = ix - ix0
    wx0 = 1.0 - wx1
    wy1 = iy - iy0
    wy0 = 1.0 - wy1

    def sample(img, yy, xx):
        # img [C, H, W]; yy, xx [H, W] floor'ed float coords
        yi = yy.astype(jnp.int32)
        xi = xx.astype(jnp.int32)
        valid = (yi >= 0) & (yi < H) & (xi >= 0) & (xi < W)
        yc = jnp.clip(yi, 0, H - 1)
        xc = jnp.clip(xi, 0, W - 1)
        v = img[:, yc, xc]  # gather -> [C, H, W]
        return v * valid[None].astype(img.dtype)

    def per_sample(img, ix0, ix1, iy0, iy1, wx0, wx1, wy0, wy1):
        v00 = sample(img, iy0, ix0)
        v01 = sample(img, iy0, ix1)
        v10 = sample(img, iy1, ix0)
        v11 = sample(img, iy1, ix1)
        return (v00 * (wy0 * wx0)[None]
                + v01 * (wy0 * wx1)[None]
                + v10 * (wy1 * wx0)[None]
                + v11 * (wy1 * wx1)[None])

    return jax.vmap(per_sample)(x, ix0, ix1, iy0, iy1, wx0, wx1, wy0, wy1)


def setup_inputs(seed: int = 0) -> dict:
    key = jax.random.key(seed)
    k1, k2 = jax.random.split(key)
    x = jax.random.normal(k1, (8, 96, 224, 224), dtype=jnp.float32)
    theta = jax.random.normal(k2, (8, 2, 3), dtype=jnp.float32)
    return {"x": x, "theta": theta}


def reference(x, theta):
    grid = affine_grid(theta, x.shape)
    return grid_sample_bilinear(x, grid)

if __name__ == "__main__":
    import jax
    _d = setup_inputs()
    print(jax.jit(kernel)(*tuple(_d.values())))

</pallas_src>

<mosaic_0001>
#map = affine_map<(d0, d1) -> (0, 0, 0, 0)>
#map1 = affine_map<(d0, d1) -> (0, 0, 0)>
module attributes {stable_mosaic.version = 14 : i64} {
  func.func @_sc_body(%arg0: i32, %arg1: i32, %arg2: memref<8x96x224x224xf32, #tpu.memory_space<hbm>>, %arg3: memref<8x224x224xi32, #tpu.memory_space<hbm>>, %arg4: memref<8x224x224xi32, #tpu.memory_space<hbm>>, %arg5: memref<8x224x224xi32, #tpu.memory_space<hbm>>, %arg6: memref<8x224x224xi32, #tpu.memory_space<hbm>>, %arg7: memref<8x224x224xf32, #tpu.memory_space<hbm>>, %arg8: memref<8x224x224xf32, #tpu.memory_space<hbm>>, %arg9: memref<8x224x224xf32, #tpu.memory_space<hbm>>, %arg10: memref<8x224x224xf32, #tpu.memory_space<hbm>>, %arg11: memref<8x96x224x224xf32, #tpu.memory_space<hbm>>, %arg12: memref<224x224xf32, #tpu.memory_space<vmem>>, %arg13: memref<16x224xi32, #tpu.memory_space<vmem>>, %arg14: memref<16x224xi32, #tpu.memory_space<vmem>>, %arg15: memref<16x224xi32, #tpu.memory_space<vmem>>, %arg16: memref<16x224xi32, #tpu.memory_space<vmem>>, %arg17: memref<16x224xf32, #tpu.memory_space<vmem>>, %arg18: memref<16x224xf32, #tpu.memory_space<vmem>>, %arg19: memref<16x224xf32, #tpu.memory_space<vmem>>, %arg20: memref<16x224xf32, #tpu.memory_space<vmem>>, %arg21: memref<16x224xf32, #tpu.memory_space<vmem>>, %arg22: memref<!tpu.dma_semaphore, #tpu.memory_space<semaphore_mem>>, %arg23: memref<!tpu.dma_semaphore, #tpu.memory_space<semaphore_mem>>, %arg24: memref<!tpu.dma_semaphore, #tpu.memory_space<semaphore_mem>>) attributes {dimension_semantics = [#tpu.dimension_semantics<core_parallel>, #tpu.dimension_semantics<subcore_parallel>], iteration_bounds = array<i64: 2, 16>, scalar_prefetch = 0 : i64, scratch_operands = 13 : i64, tpu.core_type = #tpu.core_type<sc_vector_subcore>, window_params = [{transform_indices = #map}, {transform_indices = #map1}, {transform_indices = #map1}, {transform_indices = #map1}, {transform_indices = #map1}, {transform_indices = #map1}, {transform_indices = #map1}, {transform_indices = #map1}, {transform_indices = #map1}, {transform_indices = #map}]} {
    %mul3A = arith.constant 2 : i32
    %mul3A_0 = arith.muli %arg1, %mul3A : i32
    %add3A = arith.addi %mul3A_0, %arg0 : i32
    %jit3A = arith.constant 4 : i32
    %div3A = arith.divsi %add3A, %jit3A : i32
    %sign3A = arith.constant 0 : i32
    %sign3A_1 = arith.cmpi sgt, %add3A, %sign3A : i32
    %sign3A_2 = arith.extui %sign3A_1 : i1 to i32
    %sign3A_3 = arith.constant 0 : i32
    %sign3A_4 = arith.cmpi slt, %add3A, %sign3A_3 : i32
    %sign3A_5 = arith.extui %sign3A_4 : i1 to i32
    %sign3A_6 = arith.subi %sign3A_2, %sign3A_5 : i32
    %sign3A_7 = arith.constant 0 : i32
    %sign3A_8 = arith.cmpi sgt, %jit3A, %sign3A_7 : i32
    %sign3A_9 = arith.extui %sign3A_8 : i1 to i32
    %sign3A_10 = arith.constant 0 : i32
    %sign3A_11 = arith.cmpi slt, %jit3A, %sign3A_10 : i32
    %sign3A_12 = arith.extui %sign3A_11 : i1 to i32
    %sign3A_13 = arith.subi %sign3A_9, %sign3A_12 : i32
    %ne3A = arith.cmpi ne, %sign3A_6, %sign3A_13 : i32
    %rem3A = arith.remsi %add3A, %jit3A : i32
    %ne3A_14 = arith.constant 0 : i32
    %ne3A_15 = arith.cmpi ne, %rem3A, %ne3A_14 : i32
    %and3A = arith.andi %ne3A, %ne3A_15 : i1
    %sub3A = arith.constant 1 : i32
    %sub3A_16 = arith.subi %div3A, %sub3A : i32
    %select_n3A = arith.select %and3A, %sub3A_16, %div3A : i32
    %jit3A_17 = arith.constant 4 : i32
    %eq3A = arith.constant 0 : i32
    %eq3A_18 = arith.cmpi eq, %jit3A_17, %eq3A : i32
    %jit3A_19 = arith.constant 1 : i32
    %select_n3A_20 = arith.select %eq3A_18, %jit3A_19, %jit3A_17 : i32
    %rem3A_21 = arith.remsi %add3A, %select_n3A_20 : i32
    %ne3A_22 = arith.constant 0 : i32
    %ne3A_23 = arith.cmpi ne, %rem3A_21, %ne3A_22 : i32
    %lt3A = arith.constant 0 : i32
    %lt3A_24 = arith.cmpi slt, %rem3A_21, %lt3A : i32
    %lt3A_25 = arith.constant 0 : i32
    %lt3A_26 = arith.cmpi slt, %select_n3A_20, %lt3A_25 : i32
    %ne3A_27 = arith.xori %lt3A_24, %lt3A_26 : i1
    %and3A_28 = arith.andi %ne3A_27, %ne3A_23 : i1
    %add3A_29 = arith.addi %rem3A_21, %select_n3A_20 : i32
    %select_n3A_30 = arith.select %and3A_28, %add3A_29, %rem3A_21 : i32
    %mul3A_31 = arith.constant 24 : i32
    %mul3A_32 = arith.muli %select_n3A_30, %mul3A_31 : i32
    %scan3A = arith.constant 0 : i32
    %scan3A_33 = arith.constant 24 : i32
    %scan3A_34 = arith.addi %scan3A, %scan3A_33 : i32
    %scan3A_35 = arith.constant 1 : i32
    scf.for %scan3A_37 = %scan3A to %scan3A_34 step %scan3A_35  : i32 {
      %add3A_38 = arith.addi %mul3A_32, %scan3A_37 : i32
      %dma_start3A = arith.constant 0 : i32
      %dma_start3A_39 = arith.constant 0 : i32
      %dma_start3A_40 = tpu.memref_slice %arg2[%select_n3A, %add3A_38, %dma_start3A, %dma_start3A_39] : memref<8x96x224x224xf32, #tpu.memory_space<hbm>> -> memref<1x1x224x224xf32, #tpu.memory_space<hbm>>
      %dma_start3A_41 = tpu.memref_squeeze %dma_start3A_40 : memref<1x1x224x224xf32, #tpu.memory_space<hbm>> -> memref<224x224xf32, #tpu.memory_space<hbm>>
      %dma_start3A_42 = arith.constant 0 : i32
      %dma_start3A_43 = arith.constant 0 : i32
      %dma_start3A_44 = tpu.memref_slice %arg2[%select_n3A, %add3A_38, %dma_start3A_42, %dma_start3A_43] : memref<8x96x224x224xf32, #tpu.memory_space<hbm>> -> memref<1x1x224x224xf32, #tpu.memory_space<hbm>>
      %dma_start3A_45 = tpu.memref_squeeze %dma_start3A_44 : memref<1x1x224x224xf32, #tpu.memory_space<hbm>> -> memref<224x224xf32, #tpu.memory_space<hbm>>
      tpu.enqueue_dma source(%dma_start3A_45 : memref<224x224xf32, #tpu.memory_space<hbm>>) target(%arg12 : memref<224x224xf32, #tpu.memory_space<vmem>>) target_semaphore(%arg22 : memref<!tpu.dma_semaphore, #tpu.memory_space<semaphore_mem>>)
      %dma_wait3A = arith.constant 0 : i32
      %dma_wait3A_46 = arith.constant 0 : i32
      %dma_wait3A_47 = tpu.memref_slice %arg2[%select_n3A, %add3A_38, %dma_wait3A, %dma_wait3A_46] : memref<8x96x224x224xf32, #tpu.memory_space<hbm>> -> memref<1x1x224x224xf32, #tpu.memory_space<hbm>>
      %dma_wait3A_48 = tpu.memref_squeeze %dma_wait3A_47 : memref<1x1x224x224xf32, #tpu.memory_space<hbm>> -> memref<224x224xf32, #tpu.memory_space<hbm>>
      %dma_wait3A_49 = arith.constant 0 : i32
      %dma_wait3A_50 = arith.constant 0 : i32
      %dma_wait3A_51 = tpu.memref_slice %arg2[%select_n3A, %add3A_38, %dma_wait3A_49, %dma_wait3A_50] : memref<8x96x224x224xf32, #tpu.memory_space<hbm>> -> memref<1x1x224x224xf32, #tpu.memory_space<hbm>>
      %dma_wait3A_52 = tpu.memref_squeeze %dma_wait3A_51 : memref<1x1x224x224xf32, #tpu.memory_space<hbm>> -> memref<224x224xf32, #tpu.memory_space<hbm>>
      tpu.wait_dma2 semaphore(%arg22 : memref<!tpu.dma_semaphore, #tpu.memory_space<semaphore_mem>>) src(%dma_wait3A_52 : memref<224x224xf32, #tpu.memory_space<hbm>>) dst(%arg12 : memref<224x224xf32, #tpu.memory_space<vmem>>)
      %scan3A_53 = arith.constant 0 : i32
      %scan3A_54 = arith.constant 14 : i32
      %scan3A_55 = arith.addi %scan3A_53, %scan3A_54 : i32
      %scan3A_56 = arith.constant 1 : i32
      scf.for %scan3A_58 = %scan3A_53 to %scan3A_55 step %scan3A_56  : i32 {
        %mul3A_59 = arith.constant 16 : i32
        %mul3A_60 = arith.muli %scan3A_58, %mul3A_59 : i32
        %dma_start3A_61 = arith.constant 0 : i32
        %dma_start3A_62 = tpu.memref_slice %arg3[%select_n3A, %mul3A_60, %dma_start3A_61] : memref<8x224x224xi32, #tpu.memory_space<hbm>> -> memref<1x16x224xi32, #tpu.memory_space<hbm>>
        %dma_start3A_63 = tpu.memref_squeeze %dma_start3A_62 : memref<1x16x224xi32, #tpu.memory_space<hbm>> -> memref<16x224xi32, #tpu.memory_space<hbm>>
        %dma_start3A_64 = arith.constant 0 : i32
        %dma_start3A_65 = tpu.memref_slice %arg3[%select_n3A, %mul3A_60, %dma_start3A_64] : memref<8x224x224xi32, #tpu.memory_space<hbm>> -> memref<1x16x224xi32, #tpu.memory_space<hbm>>
        %dma_start3A_66 = tpu.memref_squeeze %dma_start3A_65 : memref<1x16x224xi32, #tpu.memory_space<hbm>> -> memref<16x224xi32, #tpu.memory_space<hbm>>
        tpu.enqueue_dma source(%dma_start3A_66 : memref<16x224xi32, #tpu.memory_space<hbm>>) target(%arg13 : memref<16x224xi32, #tpu.memory_space<vmem>>) target_semaphore(%arg23 : memref<!tpu.dma_semaphore, #tpu.memory_space<semaphore_mem>>)
        %dma_start3A_67 = arith.constant 0 : i32
        %dma_start3A_68 = tpu.memref_slice %arg4[%select_n3A, %mul3A_60, %dma_start3A_67] : memref<8x224x224xi32, #tpu.memory_space<hbm>> -> memref<1x16x224xi32, #tpu.memory_space<hbm>>
        %dma_start3A_69 = tpu.memref_squeeze %dma_start3A_68 : memref<1x16x224xi32, #tpu.memory_space<hbm>> -> memref<16x224xi32, #tpu.memory_space<hbm>>
        %dma_start3A_70 = arith.constant 0 : i32
        %dma_start3A_71 = tpu.memref_slice %arg4[%select_n3A, %mul3A_60, %dma_start3A_70] : memref<8x224x224xi32, #tpu.memory_space<hbm>> -> memref<1x16x224xi32, #tpu.memory_space<hbm>>
        %dma_start3A_72 = tpu.memref_squeeze %dma_start3A_71 : memref<1x16x224xi32, #tpu.memory_space<hbm>> -> memref<16x224xi32, #tpu.memory_space<hbm>>
        tpu.enqueue_dma source(%dma_start3A_72 : memref<16x224xi32, #tpu.memory_space<hbm>>) target(%arg14 : memref<16x224xi32, #tpu.memory_space<vmem>>) target_semaphore(%arg23 : memref<!tpu.dma_semaphore, #tpu.memory_space<semaphore_mem>>)
        %dma_start3A_73 = arith.constant 0 : i32
        %dma_start3A_74 = tpu.memref_slice %arg5[%select_n3A, %mul3A_60, %dma_start3A_73] : memref<8x224x224xi32, #tpu.memory_space<hbm>> -> memref<1x16x224xi32, #tpu.memory_space<hbm>>
        %dma_start3A_75 = tpu.memref_squeeze %dma_start3A_74 : memref<1x16x224xi32, #tpu.memory_space<hbm>> -> memref<16x224xi32, #tpu.memory_space<hbm>>
        %dma_start3A_76 = arith.constant 0 : i32
        %dma_start3A_77 = tpu.memref_slice %arg5[%select_n3A, %mul3A_60, %dma_start3A_76] : memref<8x224x224xi32, #tpu.memory_space<hbm>> -> memref<1x16x224xi32, #tpu.memory_space<hbm>>
        %dma_start3A_78 = tpu.memref_squeeze %dma_start3A_77 : memref<1x16x224xi32, #tpu.memory_space<hbm>> -> memref<16x224xi32, #tpu.memory_space<hbm>>
        tpu.enqueue_dma source(%dma_start3A_78 : memref<16x224xi32, #tpu.memory_space<hbm>>) target(%arg15 : memref<16x224xi32, #tpu.memory_space<vmem>>) target_semaphore(%arg23 : memref<!tpu.dma_semaphore, #tpu.memory_space<semaphore_mem>>)
        %dma_start3A_79 = arith.constant 0 : i32
        %dma_start3A_80 = tpu.memref_slice %arg6[%select_n3A, %mul3A_60, %dma_start3A_79] : memref<8x224x224xi32, #tpu.memory_space<hbm>> -> memref<1x16x224xi32, #tpu.memory_space<hbm>>
        %dma_start3A_81 = tpu.memref_squeeze %dma_start3A_80 : memref<1x16x224xi32, #tpu.memory_space<hbm>> -> memref<16x224xi32, #tpu.memory_space<hbm>>
        %dma_start3A_82 = arith.constant 0 : i32
        %dma_start3A_83 = tpu.memref_slice %arg6[%select_n3A, %mul3A_60, %dma_start3A_82] : memref<8x224x224xi32, #tpu.memory_space<hbm>> -> memref<1x16x224xi32, #tpu.memory_space<hbm>>
        %dma_start3A_84 = tpu.memref_squeeze %dma_start3A_83 : memref<1x16x224xi32, #tpu.memory_space<hbm>> -> memref<16x224xi32, #tpu.memory_space<hbm>>
        tpu.enqueue_dma source(%dma_start3A_84 : memref<16x224xi32, #tpu.memory_space<hbm>>) target(%arg16 : memref<16x224xi32, #tpu.memory_space<vmem>>) target_semaphore(%arg23 : memref<!tpu.dma_semaphore, #tpu.memory_space<semaphore_mem>>)
        %dma_start3A_85 = arith.constant 0 : i32
        %dma_start3A_86 = tpu.memref_slice %arg7[%select_n3A, %mul3A_60, %dma_start3A_85] : memref<8x224x224xf32, #tpu.memory_space<hbm>> -> memref<1x16x224xf32, #tpu.memory_space<hbm>>
        %dma_start3A_87 = tpu.memref_squeeze %dma_start3A_86 : memref<1x16x224xf32, #tpu.memory_space<hbm>> -> memref<16x224xf32, #tpu.memory_space<hbm>>
        %dma_start3A_88 = arith.constant 0 : i32
        %dma_start3A_89 = tpu.memref_slice %arg7[%select_n3A, %mul3A_60, %dma_start3A_88] : memref<8x224x224xf32, #tpu.memory_space<hbm>> -> memref<1x16x224xf32, #tpu.memory_space<hbm>>
        %dma_start3A_90 = tpu.memref_squeeze %dma_start3A_89 : memref<1x16x224xf32, #tpu.memory_space<hbm>> -> memref<16x224xf32, #tpu.memory_space<hbm>>
        tpu.enqueue_dma source(%dma_start3A_90 : memref<16x224xf32, #tpu.memory_space<hbm>>) target(%arg17 : memref<16x224xf32, #tpu.memory_space<vmem>>) target_semaphore(%arg23 : memref<!tpu.dma_semaphore, #tpu.memory_space<semaphore_mem>>)
        %dma_start3A_91 = arith.constant 0 : i32
        %dma_start3A_92 = tpu.memref_slice %arg8[%select_n3A, %mul3A_60, %dma_start3A_91] : memref<8x224x224xf32, #tpu.memory_space<hbm>> -> memref<1x16x224xf32, #tpu.memory_space<hbm>>
        %dma_start3A_93 = tpu.memref_squeeze %dma_start3A_92 : memref<1x16x224xf32, #tpu.memory_space<hbm>> -> memref<16x224xf32, #tpu.memory_space<hbm>>
        %dma_start3A_94 = arith.constant 0 : i32
        %dma_start3A_95 = tpu.memref_slice %arg8[%select_n3A, %mul3A_60, %dma_start3A_94] : memref<8x224x224xf32, #tpu.memory_space<hbm>> -> memref<1x16x224xf32, #tpu.memory_space<hbm>>
        %dma_start3A_96 = tpu.memref_squeeze %dma_start3A_95 : memref<1x16x224xf32, #tpu.memory_space<hbm>> -> memref<16x224xf32, #tpu.memory_space<hbm>>
        tpu.enqueue_dma source(%dma_start3A_96 : memref<16x224xf32, #tpu.memory_space<hbm>>) target(%arg18 : memref<16x224xf32, #tpu.memory_space<vmem>>) target_semaphore(%arg23 : memref<!tpu.dma_semaphore, #tpu.memory_space<semaphore_mem>>)
        %dma_start3A_97 = arith.constant 0 : i32
        %dma_start3A_98 = tpu.memref_slice %arg9[%select_n3A, %mul3A_60, %dma_start3A_97] : memref<8x224x224xf32, #tpu.memory_space<hbm>> -> memref<1x16x224xf32, #tpu.memory_space<hbm>>
        %dma_start3A_99 = tpu.memref_squeeze %dma_start3A_98 : memref<1x16x224xf32, #tpu.memory_space<hbm>> -> memref<16x224xf32, #tpu.memory_space<hbm>>
        %dma_start3A_100 = arith.constant 0 : i32
        %dma_start3A_101 = tpu.memref_slice %arg9[%select_n3A, %mul3A_60, %dma_start3A_100] : memref<8x224x224xf32, #tpu.memory_space<hbm>> -> memref<1x16x224xf32, #tpu.memory_space<hbm>>
        %dma_start3A_102 = tpu.memref_squeeze %dma_start3A_101 : memref<1x16x224xf32, #tpu.memory_space<hbm>> -> memref<16x224xf32, #tpu.memory_space<hbm>>
        tpu.enqueue_dma source(%dma_start3A_102 : memref<16x224xf32, #tpu.memory_space<hbm>>) target(%arg19 : memref<16x224xf32, #tpu.memory_space<vmem>>) target_semaphore(%arg23 : memref<!tpu.dma_semaphore, #tpu.memory_space<semaphore_mem>>)
        %dma_start3A_103 = arith.constant 0 : i32
        %dma_start3A_104 = tpu.memref_slice %arg10[%select_n3A, %mul3A_60, %dma_start3A_103] : memref<8x224x224xf32, #tpu.memory_space<hbm>> -> memref<1x16x224xf32, #tpu.memory_space<hbm>>
        %dma_start3A_105 = tpu.memref_squeeze %dma_start3A_104 : memref<1x16x224xf32, #tpu.memory_space<hbm>> -> memref<16x224xf32, #tpu.memory_space<hbm>>
        %dma_start3A_106 = arith.constant 0 : i32
        %dma_start3A_107 = tpu.memref_slice %arg10[%select_n3A, %mul3A_60, %dma_start3A_106] : memref<8x224x224xf32, #tpu.memory_space<hbm>> -> memref<1x16x224xf32, #tpu.memory_space<hbm>>
        %dma_start3A_108 = tpu.memref_squeeze %dma_start3A_107 : memref<1x16x224xf32, #tpu.memory_space<hbm>> -> memref<16x224xf32, #tpu.memory_space<hbm>>
        tpu.enqueue_dma source(%dma_start3A_108 : memref<16x224xf32, #tpu.memory_space<hbm>>) target(%arg20 : memref<16x224xf32, #tpu.memory_space<vmem>>) target_semaphore(%arg23 : memref<!tpu.dma_semaphore, #tpu.memory_space<semaphore_mem>>)
        %dma_wait3A_109 = arith.constant 0 : i32
        %dma_wait3A_110 = tpu.memref_slice %arg3[%select_n3A, %mul3A_60, %dma_wait3A_109] : memref<8x224x224xi32, #tpu.memory_space<hbm>> -> memref<1x16x224xi32, #tpu.memory_space<hbm>>
        %dma_wait3A_111 = tpu.memref_squeeze %dma_wait3A_110 : memref<1x16x224xi32, #tpu.memory_space<hbm>> -> memref<16x224xi32, #tpu.memory_space<hbm>>
        %dma_wait3A_112 = arith.constant 0 : i32
        %dma_wait3A_113 = tpu.memref_slice %arg3[%select_n3A, %mul3A_60, %dma_wait3A_112] : memref<8x224x224xi32, #tpu.memory_space<hbm>> -> memref<1x16x224xi32, #tpu.memory_space<hbm>>
        %dma_wait3A_114 = tpu.memref_squeeze %dma_wait3A_113 : memref<1x16x224xi32, #tpu.memory_space<hbm>> -> memref<16x224xi32, #tpu.memory_space<hbm>>
        tpu.wait_dma2 semaphore(%arg23 : memref<!tpu.dma_semaphore, #tpu.memory_space<semaphore_mem>>) src(%dma_wait3A_114 : memref<16x224xi32, #tpu.memory_space<hbm>>) dst(%arg13 : memref<16x224xi32, #tpu.memory_space<vmem>>)
        %dma_wait3A_115 = arith.constant 0 : i32
        %dma_wait3A_116 = tpu.memref_slice %arg4[%select_n3A, %mul3A_60, %dma_wait3A_115] : memref<8x224x224xi32, #tpu.memory_space<hbm>> -> memref<1x16x224xi32, #tpu.memory_space<hbm>>
        %dma_wait3A_117 = tpu.memref_squeeze %dma_wait3A_116 : memref<1x16x224xi32, #tpu.memory_space<hbm>> -> memref<16x224xi32, #tpu.memory_space<hbm>>
        %dma_wait3A_118 = arith.constant 0 : i32
        %dma_wait3A_119 = tpu.memref_slice %arg4[%select_n3A, %mul3A_60, %dma_wait3A_118] : memref<8x224x224xi32, #tpu.memory_space<hbm>> -> memref<1x16x224xi32, #tpu.memory_space<hbm>>
        %dma_wait3A_120 = tpu.memref_squeeze %dma_wait3A_119 : memref<1x16x224xi32, #tpu.memory_space<hbm>> -> memref<16x224xi32, #tpu.memory_space<hbm>>
        tpu.wait_dma2 semaphore(%arg23 : memref<!tpu.dma_semaphore, #tpu.memory_space<semaphore_mem>>) src(%dma_wait3A_120 : memref<16x224xi32, #tpu.memory_space<hbm>>) dst(%arg14 : memref<16x224xi32, #tpu.memory_space<vmem>>)
        %dma_wait3A_121 = arith.constant 0 : i32
        %dma_wait3A_122 = tpu.memref_slice %arg5[%select_n3A, %mul3A_60, %dma_wait3A_121] : memref<8x224x224xi32, #tpu.memory_space<hbm>> -> memref<1x16x224xi32, #tpu.memory_space<hbm>>
        %dma_wait3A_123 = tpu.memref_squeeze %dma_wait3A_122 : memref<1x16x224xi32, #tpu.memory_space<hbm>> -> memref<16x224xi32, #tpu.memory_space<hbm>>
        %dma_wait3A_124 = arith.constant 0 : i32
        %dma_wait3A_125 = tpu.memref_slice %arg5[%select_n3A, %mul3A_60, %dma_wait3A_124] : memref<8x224x224xi32, #tpu.memory_space<hbm>> -> memref<1x16x224xi32, #tpu.memory_space<hbm>>
        %dma_wait3A_126 = tpu.memref_squeeze %dma_wait3A_125 : memref<1x16x224xi32, #tpu.memory_space<hbm>> -> memref<16x224xi32, #tpu.memory_space<hbm>>
        tpu.wait_dma2 semaphore(%arg23 : memref<!tpu.dma_semaphore, #tpu.memory_space<semaphore_mem>>) src(%dma_wait3A_126 : memref<16x224xi32, #tpu.memory_space<hbm>>) dst(%arg15 : memref<16x224xi32, #tpu.memory_space<vmem>>)
        %dma_wait3A_127 = arith.constant 0 : i32
        %dma_wait3A_128 = tpu.memref_slice %arg6[%select_n3A, %mul3A_60, %dma_wait3A_127] : memref<8x224x224xi32, #tpu.memory_space<hbm>> -> memref<1x16x224xi32, #tpu.memory_space<hbm>>
        %dma_wait3A_129 = tpu.memref_squeeze %dma_wait3A_128 : memref<1x16x224xi32, #tpu.memory_space<hbm>> -> memref<16x224xi32, #tpu.memory_space<hbm>>
        %dma_wait3A_130 = arith.constant 0 : i32
        %dma_wait3A_131 = tpu.memref_slice %arg6[%select_n3A, %mul3A_60, %dma_wait3A_130] : memref<8x224x224xi32, #tpu.memory_space<hbm>> -> memref<1x16x224xi32, #tpu.memory_space<hbm>>
        %dma_wait3A_132 = tpu.memref_squeeze %dma_wait3A_131 : memref<1x16x224xi32, #tpu.memory_space<hbm>> -> memref<16x224xi32, #tpu.memory_space<hbm>>
        tpu.wait_dma2 semaphore(%arg23 : memref<!tpu.dma_semaphore, #tpu.memory_space<semaphore_mem>>) src(%dma_wait3A_132 : memref<16x224xi32, #tpu.memory_space<hbm>>) dst(%arg16 : memref<16x224xi32, #tpu.memory_space<vmem>>)
        %dma_wait3A_133 = arith.constant 0 : i32
        %dma_wait3A_134 = tpu.memref_slice %arg7[%select_n3A, %mul3A_60, %dma_wait3A_133] : memref<8x224x224xf32, #tpu.memory_space<hbm>> -> memref<1x16x224xf32, #tpu.memory_space<hbm>>
        %dma_wait3A_135 = tpu.memref_squeeze %dma_wait3A_134 : memref<1x16x224xf32, #tpu.memory_space<hbm>> -> memref<16x224xf32, #tpu.memory_space<hbm>>
        %dma_wait3A_136 = arith.constant 0 : i32
        %dma_wait3A_137 = tpu.memref_slice %arg7[%select_n3A, %mul3A_60, %dma_wait3A_136] : memref<8x224x224xf32, #tpu.memory_space<hbm>> -> memref<1x16x224xf32, #tpu.memory_space<hbm>>
        %dma_wait3A_138 = tpu.memref_squeeze %dma_wait3A_137 : memref<1x16x224xf32, #tpu.memory_space<hbm>> -> memref<16x224xf32, #tpu.memory_space<hbm>>
        tpu.wait_dma2 semaphore(%arg23 : memref<!tpu.dma_semaphore, #tpu.memory_space<semaphore_mem>>) src(%dma_wait3A_138 : memref<16x224xf32, #tpu.memory_space<hbm>>) dst(%arg17 : memref<16x224xf32, #tpu.memory_space<vmem>>)
        %dma_wait3A_139 = arith.constant 0 : i32
        %dma_wait3A_140 = tpu.memref_slice %arg8[%select_n3A, %mul3A_60, %dma_wait3A_139] : memref<8x224x224xf32, #tpu.memory_space<hbm>> -> memref<1x16x224xf32, #tpu.memory_space<hbm>>
        %dma_wait3A_141 = tpu.memref_squeeze %dma_wait3A_140 : memref<1x16x224xf32, #tpu.memory_space<hbm>> -> memref<16x224xf32, #tpu.memory_space<hbm>>
        %dma_wait3A_142 = arith.constant 0 : i32
        %dma_wait3A_143 = tpu.memref_slice %arg8[%select_n3A, %mul3A_60, %dma_wait3A_142] : memref<8x224x224xf32, #tpu.memory_space<hbm>> -> memref<1x16x224xf32, #tpu.memory_space<hbm>>
        %dma_wait3A_144 = tpu.memref_squeeze %dma_wait3A_143 : memref<1x16x224xf32, #tpu.memory_space<hbm>> -> memref<16x224xf32, #tpu.memory_space<hbm>>
        tpu.wait_dma2 semaphore(%arg23 : memref<!tpu.dma_semaphore, #tpu.memory_space<semaphore_mem>>) src(%dma_wait3A_144 : memref<16x224xf32, #tpu.memory_space<hbm>>) dst(%arg18 : memref<16x224xf32, #tpu.memory_space<vmem>>)
        %dma_wait3A_145 = arith.constant 0 : i32
        %dma_wait3A_146 = tpu.memref_slice %arg9[%select_n3A, %mul3A_60, %dma_wait3A_145] : memref<8x224x224xf32, #tpu.memory_space<hbm>> -> memref<1x16x224xf32, #tpu.memory_space<hbm>>
        %dma_wait3A_147 = tpu.memref_squeeze %dma_wait3A_146 : memref<1x16x224xf32, #tpu.memory_space<hbm>> -> memref<16x224xf32, #tpu.memory_space<hbm>>
        %dma_wait3A_148 = arith.constant 0 : i32
        %dma_wait3A_149 = tpu.memref_slice %arg9[%select_n3A, %mul3A_60, %dma_wait3A_148] : memref<8x224x224xf32, #tpu.memory_space<hbm>> -> memref<1x16x224xf32, #tpu.memory_space<hbm>>
        %dma_wait3A_150 = tpu.memref_squeeze %dma_wait3A_149 : memref<1x16x224xf32, #tpu.memory_space<hbm>> -> memref<16x224xf32, #tpu.memory_space<hbm>>
        tpu.wait_dma2 semaphore(%arg23 : memref<!tpu.dma_semaphore, #tpu.memory_space<semaphore_mem>>) src(%dma_wait3A_150 : memref<16x224xf32, #tpu.memory_space<hbm>>) dst(%arg19 : memref<16x224xf32, #tpu.memory_space<vmem>>)
        %dma_wait3A_151 = arith.constant 0 : i32
        %dma_wait3A_152 = tpu.memref_slice %arg10[%select_n3A, %mul3A_60, %dma_wait3A_151] : memref<8x224x224xf32, #tpu.memory_space<hbm>> -> memref<1x16x224xf32, #tpu.memory_space<hbm>>
        %dma_wait3A_153 = tpu.memref_squeeze %dma_wait3A_152 : memref<1x16x224xf32, #tpu.memory_space<hbm>> -> memref<16x224xf32, #tpu.memory_space<hbm>>
        %dma_wait3A_154 = arith.constant 0 : i32
        %dma_wait3A_155 = tpu.memref_slice %arg10[%select_n3A, %mul3A_60, %dma_wait3A_154] : memref<8x224x224xf32, #tpu.memory_space<hbm>> -> memref<1x16x224xf32, #tpu.memory_space<hbm>>
        %dma_wait3A_156 = tpu.memref_squeeze %dma_wait3A_155 : memref<1x16x224xf32, #tpu.memory_space<hbm>> -> memref<16x224xf32, #tpu.memory_space<hbm>>
        tpu.wait_dma2 semaphore(%arg23 : memref<!tpu.dma_semaphore, #tpu.memory_space<semaphore_mem>>) src(%dma_wait3A_156 : memref<16x224xf32, #tpu.memory_space<hbm>>) dst(%arg20 : memref<16x224xf32, #tpu.memory_space<vmem>>)
        %scan3A_157 = arith.constant 0 : i32
        %scan3A_158 = arith.constant 16 : i32
        %scan3A_159 = arith.addi %scan3A_157, %scan3A_158 : i32
        %scan3A_160 = arith.constant 1 : i32
        scf.for %scan3A_174 = %scan3A_157 to %scan3A_159 step %scan3A_160  : i32 {
          %get3A = arith.index_cast %scan3A_174 : i32 to index
          %get3A_175 = arith.constant 0 : index
          %get3A_176 = tpu.vector_load %arg13[%get3A, %get3A_175] {strides = array<i32>} : memref<16x224xi32, #tpu.memory_space<vmem>>, vector<16xi32>,
          %get3A_177 = arith.index_cast %scan3A_174 : i32 to index
          %get3A_178 = arith.constant 0 : index
          %get3A_179 = tpu.vector_load %arg14[%get3A_177, %get3A_178] {strides = array<i32>} : memref<16x224xi32, #tpu.memory_space<vmem>>, vector<16xi32>,
          %get3A_180 = arith.index_cast %scan3A_174 : i32 to index
          %get3A_181 = arith.constant 0 : index
          %get3A_182 = tpu.vector_load %arg15[%get3A_180, %get3A_181] {strides = array<i32>} : memref<16x224xi32, #tpu.memory_space<vmem>>, vector<16xi32>,
          %get3A_183 = arith.index_cast %scan3A_174 : i32 to index
          %get3A_184 = arith.constant 0 : index
          %get3A_185 = tpu.vector_load %arg16[%get3A_183, %get3A_184] {strides = array<i32>} : memref<16x224xi32, #tpu.memory_space<vmem>>, vector<16xi32>,
          %get3A_186 = arith.index_cast %scan3A_174 : i32 to index
          %get3A_187 = arith.constant 0 : index
          %get3A_188 = tpu.vector_load %arg17[%get3A_186, %get3A_187] {strides = array<i32>} : memref<16x224xf32, #tpu.memory_space<vmem>>, vector<16xf32>,
          %get3A_189 = arith.index_cast %scan3A_174 : i32 to index
          %get3A_190 = arith.constant 0 : index
          %get3A_191 = tpu.vector_load %arg18[%get3A_189, %get3A_190] {strides = array<i32>} : memref<16x224xf32, #tpu.memory_space<vmem>>, vector<16xf32>,
          %get3A_192 = arith.index_cast %scan3A_174 : i32 to index
          %get3A_193 = arith.constant 0 : index
          %get3A_194 = tpu.vector_load %arg19[%get3A_192, %get3A_193] {strides = array<i32>} : memref<16x224xf32, #tpu.memory_space<vmem>>, vector<16xf32>,
          %get3A_195 = arith.index_cast %scan3A_174 : i32 to index
          %get3A_196 = arith.constant 0 : index
          %get3A_197 = tpu.vector_load %arg20[%get3A_195, %get3A_196] {strides = array<i32>} : memref<16x224xf32, #tpu.memory_space<vmem>>, vector<16xf32>,
          %gather3A = tpu.vector_load_idx %arg12[%get3A_176, %get3A_182] : memref<224x224xf32, #tpu.memory_space<vmem>>[vector<16xi32>, vector<16xi32>], vector<16xf32>,
          %gather3A_198 = tpu.vector_load_idx %arg12[%get3A_176, %get3A_185] : memref<224x224xf32, #tpu.memory_space<vmem>>[vector<16xi32>, vector<16xi32>], vector<16xf32>,
          %gather3A_199 = tpu.vector_load_idx %arg12[%get3A_179, %get3A_182] : memref<224x224xf32, #tpu.memory_space<vmem>>[vector<16xi32>, vector<16xi32>], vector<16xf32>,
          %gather3A_200 = tpu.vector_load_idx %arg12[%get3A_179, %get3A_185] : memref<224x224xf32, #tpu.memory_space<vmem>>[vector<16xi32>, vector<16xi32>], vector<16xf32>,
          %mul3A_201 = arith.mulf %get3A_188, %gather3A : vector<16xf32>
          %mul3A_202 = arith.mulf %get3A_191, %gather3A_198 : vector<16xf32>
          %add3A_203 = arith.addf %mul3A_201, %mul3A_202 : vector<16xf32>
          %mul3A_204 = arith.mulf %get3A_194, %gather3A_199 : vector<16xf32>
          %add3A_205 = arith.addf %add3A_203, %mul3A_204 : vector<16xf32>
          %mul3A_206 = arith.mulf %get3A_197, %gather3A_200 : vector<16xf32>
          %add3A_207 = arith.addf %add3A_205, %mul3A_206 : vector<16xf32>
          %swap3A = arith.index_cast %scan3A_174 : i32 to index
          %swap3A_208 = arith.constant 0 : index
          %swap3A_209 = tpu.vector_load %arg21[%swap3A, %swap3A_208] {strides = array<i32>} : memref<16x224xf32, #tpu.memory_space<vmem>>, vector<16xf32>,
          tpu.vector_store %arg21[%swap3A, %swap3A_208], %add3A_207 {strides = array<i32>} : memref<16x224xf32, #tpu.memory_space<vmem>>, vector<16xf32>,
          %get3A_210 = arith.index_cast %scan3A_174 : i32 to index
          %get3A_211 = arith.constant 16 : index
          %get3A_212 = tpu.vector_load %arg13[%get3A_210, %get3A_211] {strides = array<i32>} : memref<16x224xi32, #tpu.memory_space<vmem>>, vector<16xi32>,
          %get3A_213 = arith.index_cast %scan3A_174 : i32 to index
          %get3A_214 = arith.constant 16 : index
          %get3A_215 = tpu.vector_load %arg14[%get3A_213, %get3A_214] {strides = array<i32>} : memref<16x224xi32, #tpu.memory_space<vmem>>, vector<16xi32>,
          %get3A_216 = arith.index_cast %scan3A_174 : i32 to index
          %get3A_217 = arith.constant 16 : index
          %get3A_218 = tpu.vector_load %arg15[%get3A_216, %get3A_217] {strides = array<i32>} : memref<16x224xi32, #tpu.memory_space<vmem>>, vector<16xi32>,
          %get3A_219 = arith.index_cast %scan3A_174 : i32 to index
          %get3A_220 = arith.constant 16 : index
          %get3A_221 = tpu.vector_load %arg16[%get3A_219, %get3A_220] {strides = array<i32>} : memref<16x224xi32, #tpu.memory_space<vmem>>, vector<16xi32>,
          %get3A_222 = arith.index_cast %scan3A_174 : i32 to index
          %get3A_223 = arith.constant 16 : index
          %get3A_224 = tpu.vector_load %arg17[%get3A_222, %get3A_223] {strides = array<i32>} : memref<16x224xf32, #tpu.memory_space<vmem>>, vector<16xf32>,
          %get3A_225 = arith.index_cast %scan3A_174 : i32 to index
          %get3A_226 = arith.constant 16 : index
          %get3A_227 = tpu.vector_load %arg18[%get3A_225, %get3A_226] {strides = array<i32>} : memref<16x224xf32, #tpu.memory_space<vmem>>, vector<16xf32>,
          %get3A_228 = arith.index_cast %scan3A_174 : i32 to index
          %get3A_229 = arith.constant 16 : index
          %get3A_230 = tpu.vector_load %arg19[%get3A_228, %get3A_229] {strides = array<i32>} : memref<16x224xf32, #tpu.memory_space<vmem>>, vector<16xf32>,
          %get3A_231 = arith.index_cast %scan3A_174 : i32 to index
          %get3A_232 = arith.constant 16 : index
          %get3A_233 = tpu.vector_load %arg20[%get3A_231, %get3A_232] {strides = array<i32>} : memref<16x224xf32, #tpu.memory_space<vmem>>, vector<16xf32>,
          %gather3A_234 = tpu.vector_load_idx %arg12[%get3A_212, %get3A_218] : memref<224x224xf32, #tpu.memory_space<vmem>>[vector<16xi32>, vector<16xi32>], vector<16xf32>,
          %gather3A_235 = tpu.vector_load_idx %arg12[%get3A_212, %get3A_221] : memref<224x224xf32, #tpu.memory_space<vmem>>[vector<16xi32>, vector<16xi32>], vector<16xf32>,
          %gather3A_236 = tpu.vector_load_idx %arg12[%get3A_215, %get3A_218] : memref<224x224xf32, #tpu.memory_space<vmem>>[vector<16xi32>, vector<16xi32>], vector<16xf32>,
          %gather3A_237 = tpu.vector_load_idx %arg12[%get3A_215, %get3A_221] : memref<224x224xf32, #tpu.memory_space<vmem>>[vector<16xi32>, vector<16xi32>], vector<16xf32>,
          %mul3A_238 = arith.mulf %get3A_224, %gather3A_234 : vector<16xf32>
          %mul3A_239 = arith.mulf %get3A_227, %gather3A_235 : vector<16xf32>
          %add3A_240 = arith.addf %mul3A_238, %mul3A_239 : vector<16xf32>
          %mul3A_241 = arith.mulf %get3A_230, %gather3A_236 : vector<16xf32>
          %add3A_242 = arith.addf %add3A_240, %mul3A_241 : vector<16xf32>
          %mul3A_243 = arith.mulf %get3A_233, %gather3A_237 : vector<16xf32>
          %add3A_244 = arith.addf %add3A_242, %mul3A_243 : vector<16xf32>
          %swap3A_245 = arith.index_cast %scan3A_174 : i32 to index
          %swap3A_246 = arith.constant 16 : index
          %swap3A_247 = tpu.vector_load %arg21[%swap3A_245, %swap3A_246] {strides = array<i32>} : memref<16x224xf32, #tpu.memory_space<vmem>>, vector<16xf32>,
          tpu.vector_store %arg21[%swap3A_245, %swap3A_246], %add3A_244 {strides = array<i32>} : memref<16x224xf32, #tpu.memory_space<vmem>>, vector<16xf32>,
          %get3A_248 = arith.index_cast %scan3A_174 : i32 to index
          %get3A_249 = arith.constant 32 : index
          %get3A_250 = tpu.vector_load %arg13[%get3A_248, %get3A_249] {strides = array<i32>} : memref<16x224xi32, #tpu.memory_space<vmem>>, vector<16xi32>,
          %get3A_251 = arith.index_cast %scan3A_174 : i32 to index
          %get3A_252 = arith.constant 32 : index
          %get3A_253 = tpu.vector_load %arg14[%get3A_251, %get3A_252] {strides = array<i32>} : memref<16x224xi32, #tpu.memory_space<vmem>>, vector<16xi32>,
          %get3A_254 = arith.index_cast %scan3A_174 : i32 to index
          %get3A_255 = arith.constant 32 : index
          %get3A_256 = tpu.vector_load %arg15[%get3A_254, %get3A_255] {strides = array<i32>} : memref<16x224xi32, #tpu.memory_space<vmem>>, vector<16xi32>,
          %get3A_257 = arith.index_cast %scan3A_174 : i32 to index
          %get3A_258 = arith.constant 32 : index
          %get3A_259 = tpu.vector_load %arg16[%get3A_257, %get3A_258] {strides = array<i32>} : memref<16x224xi32, #tpu.memory_space<vmem>>, vector<16xi32>,
          %get3A_260 = arith.index_cast %scan3A_174 : i32 to index
          %get3A_261 = arith.constant 32 : index
          %get3A_262 = tpu.vector_load %arg17[%get3A_260, %get3A_261] {strides = array<i32>} : memref<16x224xf32, #tpu.memory_space<vmem>>, vector<16xf32>,
          %get3A_263 = arith.index_cast %scan3A_174 : i32 to index
          %get3A_264 = arith.constant 32 : index
          %get3A_265 = tpu.vector_load %arg18[%get3A_263, %get3A_264] {strides = array<i32>} : memref<16x224xf32, #tpu.memory_space<vmem>>, vector<16xf32>,
          %get3A_266 = arith.index_cast %scan3A_174 : i32 to index
          %get3A_267 = arith.constant 32 : index
          %get3A_268 = tpu.vector_load %arg19[%get3A_266, %get3A_267] {strides = array<i32>} : memref<16x224xf32, #tpu.memory_space<vmem>>, vector<16xf32>,
          %get3A_269 = arith.index_cast %scan3A_174 : i32 to index
          %get3A_270 = arith.constant 32 : index
          %get3A_271 = tpu.vector_load %arg20[%get3A_269, %get3A_270] {strides = array<i32>} : memref<16x224xf32, #tpu.memory_space<vmem>>, vector<16xf32>,
          %gather3A_272 = tpu.vector_load_idx %arg12[%get3A_250, %get3A_256] : memref<224x224xf32, #tpu.memory_space<vmem>>[vector<16xi32>, vector<16xi32>], vector<16xf32>,
          %gather3A_273 = tpu.vector_load_idx %arg12[%get3A_250, %get3A_259] : memref<224x224xf32, #tpu.memory_space<vmem>>[vector<16xi32>, vector<16xi32>], vector<16xf32>,
          %gather3A_274 = tpu.vector_load_idx %arg12[%get3A_253, %get3A_256] : memref<224x224xf32, #tpu.memory_space<vmem>>[vector<16xi32>, vector<16xi32>], vector<16xf32>,
          %gather3A_275 = tpu.vector_load_idx %arg12[%get3A_253, %get3A_259] : memref<224x224xf32, #tpu.memory_space<vmem>>[vector<16xi32>, vector<16xi32>], vector<16xf32>,
          %mul3A_276 = arith.mulf %get3A_262, %gather3A_272 : vector<16xf32>
          %mul3A_277 = arith.mulf %get3A_265, %gather3A_273 : vector<16xf32>
          %add3A_278 = arith.addf %mul3A_276, %mul3A_277 : vector<16xf32>
          %mul3A_279 = arith.mulf %get3A_268, %gather3A_274 : vector<16xf32>
          %add3A_280 = arith.addf %add3A_278, %mul3A_279 : vector<16xf32>
          %mul3A_281 = arith.mulf %get3A_271, %gather3A_275 : vector<16xf32>
          %add3A_282 = arith.addf %add3A_280, %mul3A_281 : vector<16xf32>
          %swap3A_283 = arith.index_cast %scan3A_174 : i32 to index
          %swap3A_284 = arith.constant 32 : index
          %swap3A_285 = tpu.vector_load %arg21[%swap3A_283, %swap3A_284] {strides = array<i32>} : memref<16x224xf32, #tpu.memory_space<vmem>>, vector<16xf32>,
          tpu.vector_store %arg21[%swap3A_283, %swap3A_284], %add3A_282 {strides = array<i32>} : memref<16x224xf32, #tpu.memory_space<vmem>>, vector<16xf32>,
          %get3A_286 = arith.index_cast %scan3A_174 : i32 to index
          %get3A_287 = arith.constant 48 : index
          %get3A_288 = tpu.vector_load %arg13[%get3A_286, %get3A_287] {strides = array<i32>} : memref<16x224xi32, #tpu.memory_space<vmem>>, vector<16xi32>,
          %get3A_289 = arith.index_cast %scan3A_174 : i32 to index
          %get3A_290 = arith.constant 48 : index
          %get3A_291 = tpu.vector_load %arg14[%get3A_289, %get3A_290] {strides = array<i32>} : memref<16x224xi32, #tpu.memory_space<vmem>>, vector<16xi32>,
          %get3A_292 = arith.index_cast %scan3A_174 : i32 to index
          %get3A_293 = arith.constant 48 : index
          %get3A_294 = tpu.vector_load %arg15[%get3A_292, %get3A_293] {strides = array<i32>} : memref<16x224xi32, #tpu.memory_space<vmem>>, vector<16xi32>,
          %get3A_295 = arith.index_cast %scan3A_174 : i32 to index
          %get3A_296 = arith.constant 48 : index
          %get3A_297 = tpu.vector_load %arg16[%get3A_295, %get3A_296] {strides = array<i32>} : memref<16x224xi32, #tpu.memory_space<vmem>>, vector<16xi32>,
          %get3A_298 = arith.index_cast %scan3A_174 : i32 to index
          %get3A_299 = arith.constant 48 : index
          %get3A_300 = tpu.vector_load %arg17[%get3A_298, %get3A_299] {strides = array<i32>} : memref<16x224xf32, #tpu.memory_space<vmem>>, vector<16xf32>,
          %get3A_301 = arith.index_cast %scan3A_174 : i32 to index
          %get3A_302 = arith.constant 48 : index
          %get3A_303 = tpu.vector_load %arg18[%get3A_301, %get3A_302] {strides = array<i32>} : memref<16x224xf32, #tpu.memory_space<vmem>>, vector<16xf32>,
          %get3A_304 = arith.index_cast %scan3A_174 : i32 to index
          %get3A_305 = arith.constant 48 : index
          %get3A_306 = tpu.vector_load %arg19[%get3A_304, %get3A_305] {strides = array<i32>} : memref<16x224xf32, #tpu.memory_space<vmem>>, vector<16xf32>,
          %get3A_307 = arith.index_cast %scan3A_174 : i32 to index
          %get3A_308 = arith.constant 48 : index
          %get3A_309 = tpu.vector_load %arg20[%get3A_307, %get3A_308] {strides = array<i32>} : memref<16x224xf32, #tpu.memory_space<vmem>>, vector<16xf32>,
          %gather3A_310 = tpu.vector_load_idx %arg12[%get3A_288, %get3A_294] : memref<224x224xf32, #tpu.memory_space<vmem>>[vector<16xi32>, vector<16xi32>], vector<16xf32>,
          %gather3A_311 = tpu.vector_load_idx %arg12[%get3A_288, %get3A_297] : memref<224x224xf32, #tpu.memory_space<vmem>>[vector<16xi32>, vector<16xi32>], vector<16xf32>,
          %gather3A_312 = tpu.vector_load_idx %arg12[%get3A_291, %get3A_294] : memref<224x224xf32, #tpu.memory_space<vmem>>[vector<16xi32>, vector<16xi32>], vector<16xf32>,
          %gather3A_313 = tpu.vector_load_idx %arg12[%get3A_291, %get3A_297] : memref<224x224xf32, #tpu.memory_space<vmem>>[vector<16xi32>, vector<16xi32>], vector<16xf32>,
          %mul3A_314 = arith.mulf %get3A_300, %gather3A_310 : vector<16xf32>
          %mul3A_315 = arith.mulf %get3A_303, %gather3A_311 : vector<16xf32>
          %add3A_316 = arith.addf %mul3A_314, %mul3A_315 : vector<16xf32>
          %mul3A_317 = arith.mulf %get3A_306, %gather3A_312 : vector<16xf32>
          %add3A_318 = arith.addf %add3A_316, %mul3A_317 : vector<16xf32>
          %mul3A_319 = arith.mulf %get3A_309, %gather3A_313 : vector<16xf32>
          %add3A_320 = arith.addf %add3A_318, %mul3A_319 : vector<16xf32>
          %swap3A_321 = arith.index_cast %scan3A_174 : i32 to index
          %swap3A_322 = arith.constant 48 : index
          %swap3A_323 = tpu.vector_load %arg21[%swap3A_321, %swap3A_322] {strides = array<i32>} : memref<16x224xf32, #tpu.memory_space<vmem>>, vector<16xf32>,
          tpu.vector_store %arg21[%swap3A_321, %swap3A_322], %add3A_320 {strides = array<i32>} : memref<16x224xf32, #tpu.memory_space<vmem>>, vector<16xf32>,
          %get3A_324 = arith.index_cast %scan3A_174 : i32 to index
          %get3A_325 = arith.constant 64 : index
          %get3A_326 = tpu.vector_load %arg13[%get3A_324, %get3A_325] {strides = array<i32>} : memref<16x224xi32, #tpu.memory_space<vmem>>, vector<16xi32>,
          %get3A_327 = arith.index_cast %scan3A_174 : i32 to index
          %get3A_328 = arith.constant 64 : index
          %get3A_329 = tpu.vector_load %arg14[%get3A_327, %get3A_328] {strides = array<i32>} : memref<16x224xi32, #tpu.memory_space<vmem>>, vector<16xi32>,
          %get3A_330 = arith.index_cast %scan3A_174 : i32 to index
          %get3A_331 = arith.constant 64 : index
          %get3A_332 = tpu.vector_load %arg15[%get3A_330, %get3A_331] {strides = array<i32>} : memref<16x224xi32, #tpu.memory_space<vmem>>, vector<16xi32>,
          %get3A_333 = arith.index_cast %scan3A_174 : i32 to index
          %get3A_334 = arith.constant 64 : index
          %get3A_335 = tpu.vector_load %arg16[%get3A_333, %get3A_334] {strides = array<i32>} : memref<16x224xi32, #tpu.memory_space<vmem>>, vector<16xi32>,
          %get3A_336 = arith.index_cast %scan3A_174 : i32 to index
          %get3A_337 = arith.constant 64 : index
          %get3A_338 = tpu.vector_load %arg17[%get3A_336, %get3A_337] {strides = array<i32>} : memref<16x224xf32, #tpu.memory_space<vmem>>, vector<16xf32>,
          %get3A_339 = arith.index_cast %scan3A_174 : i32 to index
          %get3A_340 = arith.constant 64 : index
          %get3A_341 = tpu.vector_load %arg18[%get3A_339, %get3A_340] {strides = array<i32>} : memref<16x224xf32, #tpu.memory_space<vmem>>, vector<16xf32>,
          %get3A_342 = arith.index_cast %scan3A_174 : i32 to index
          %get3A_343 = arith.constant 64 : index
          %get3A_344 = tpu.vector_load %arg19[%get3A_342, %get3A_343] {strides = array<i32>} : memref<16x224xf32, #tpu.memory_space<vmem>>, vector<16xf32>,
          %get3A_345 = arith.index_cast %scan3A_174 : i32 to index
          %get3A_346 = arith.constant 64 : index
          %get3A_347 = tpu.vector_load %arg20[%get3A_345, %get3A_346] {strides = array<i32>} : memref<16x224xf32, #tpu.memory_space<vmem>>, vector<16xf32>,
          %gather3A_348 = tpu.vector_load_idx %arg12[%get3A_326, %get3A_332] : memref<224x224xf32, #tpu.memory_space<vmem>>[vector<16xi32>, vector<16xi32>], vector<16xf32>,
          %gather3A_349 = tpu.vector_load_idx %arg12[%get3A_326, %get3A_335] : memref<224x224xf32, #tpu.memory_space<vmem>>[vector<16xi32>, vector<16xi32>], vector<16xf32>,
          %gather3A_350 = tpu.vector_load_idx %arg12[%get3A_329, %get3A_332] : memref<224x224xf32, #tpu.memory_space<vmem>>[vector<16xi32>, vector<16xi32>], vector<16xf32>,
          %gather3A_351 = tpu.vector_load_idx %arg12[%get3A_329, %get3A_335] : memref<224x224xf32, #tpu.memory_space<vmem>>[vector<16xi32>, vector<16xi32>], vector<16xf32>,
          %mul3A_352 = arith.mulf %get3A_338, %gather3A_348 : vector<16xf32>
          %mul3A_353 = arith.mulf %get3A_341, %gather3A_349 : vector<16xf32>
          %add3A_354 = arith.addf %mul3A_352, %mul3A_353 : vector<16xf32>
          %mul3A_355 = arith.mulf %get3A_344, %gather3A_350 : vector<16xf32>
          %add3A_356 = arith.addf %add3A_354, %mul3A_355 : vector<16xf32>
          %mul3A_357 = arith.mulf %get3A_347, %gather3A_351 : vector<16xf32>
          %add3A_358 = arith.addf %add3A_356, %mul3A_357 : vector<16xf32>
          %swap3A_359 = arith.index_cast %scan3A_174 : i32 to index
          %swap3A_360 = arith.constant 64 : index
          %swap3A_361 = tpu.vector_load %arg21[%swap3A_359, %swap3A_360] {strides = array<i32>} : memref<16x224xf32, #tpu.memory_space<vmem>>, vector<16xf32>,
          tpu.vector_store %arg21[%swap3A_359, %swap3A_360], %add3A_358 {strides = array<i32>} : memref<16x224xf32, #tpu.memory_space<vmem>>, vector<16xf32>,
          %get3A_362 = arith.index_cast %scan3A_174 : i32 to index
          %get3A_363 = arith.constant 80 : index
          %get3A_364 = tpu.vector_load %arg13[%get3A_362, %get3A_363] {strides = array<i32>} : memref<16x224xi32, #tpu.memory_space<vmem>>, vector<16xi32>,
          %get3A_365 = arith.index_cast %scan3A_174 : i32 to index
          %get3A_366 = arith.constant 80 : index
          %get3A_367 = tpu.vector_load %arg14[%get3A_365, %get3A_366] {strides = array<i32>} : memref<16x224xi32, #tpu.memory_space<vmem>>, vector<16xi32>,
          %get3A_368 = arith.index_cast %scan3A_174 : i32 to index
          %get3A_369 = arith.constant 80 : index
          %get3A_370 = tpu.vector_load %arg15[%get3A_368, %get3A_369] {strides = array<i32>} : memref<16x224xi32, #tpu.memory_space<vmem>>, vector<16xi32>,
          %get3A_371 = arith.index_cast %scan3A_174 : i32 to index
          %get3A_372 = arith.constant 80 : index
          %get3A_373 = tpu.vector_load %arg16[%get3A_371, %get3A_372] {strides = array<i32>} : memref<16x224xi32, #tpu.memory_space<vmem>>, vector<16xi32>,
          %get3A_374 = arith.index_cast %scan3A_174 : i32 to index
          %get3A_375 = arith.constant 80 : index
          %get3A_376 = tpu.vector_load %arg17[%get3A_374, %get3A_375] {strides = array<i32>} : memref<16x224xf32, #tpu.memory_space<vmem>>, vector<16xf32>,
          %get3A_377 = arith.index_cast %scan3A_174 : i32 to index
          %get3A_378 = arith.constant 80 : index
          %get3A_379 = tpu.vector_load %arg18[%get3A_377, %get3A_378] {strides = array<i32>} : memref<16x224xf32, #tpu.memory_space<vmem>>, vector<16xf32>,
          %get3A_380 = arith.index_cast %scan3A_174 : i32 to index
          %get3A_381 = arith.constant 80 : index
          %get3A_382 = tpu.vector_load %arg19[%get3A_380, %get3A_381] {strides = array<i32>} : memref<16x224xf32, #tpu.memory_space<vmem>>, vector<16xf32>,
          %get3A_383 = arith.index_cast %scan3A_174 : i32 to index
          %get3A_384 = arith.constant 80 : index
          %get3A_385 = tpu.vector_load %arg20[%get3A_383, %get3A_384] {strides = array<i32>} : memref<16x224xf32, #tpu.memory_space<vmem>>, vector<16xf32>,
          %gather3A_386 = tpu.vector_load_idx %arg12[%get3A_364, %get3A_370] : memref<224x224xf32, #tpu.memory_space<vmem>>[vector<16xi32>, vector<16xi32>], vector<16xf32>,
          %gather3A_387 = tpu.vector_load_idx %arg12[%get3A_364, %get3A_373] : memref<224x224xf32, #tpu.memory_space<vmem>>[vector<16xi32>, vector<16xi32>], vector<16xf32>,
          %gather3A_388 = tpu.vector_load_idx %arg12[%get3A_367, %get3A_370] : memref<224x224xf32, #tpu.memory_space<vmem>>[vector<16xi32>, vector<16xi32>], vector<16xf32>,
          %gather3A_389 = tpu.vector_load_idx %arg12[%get3A_367, %get3A_373] : memref<224x224xf32, #tpu.memory_space<vmem>>[vector<16xi32>, vector<16xi32>], vector<16xf32>,
          %mul3A_390 = arith.mulf %get3A_376, %gather3A_386 : vector<16xf32>
          %mul3A_391 = arith.mulf %get3A_379, %gather3A_387 : vector<16xf32>
          %add3A_392 = arith.addf %mul3A_390, %mul3A_391 : vector<16xf32>
          %mul3A_393 = arith.mulf %get3A_382, %gather3A_388 : vector<16xf32>
          %add3A_394 = arith.addf %add3A_392, %mul3A_393 : vector<16xf32>
          %mul3A_395 = arith.mulf %get3A_385, %gather3A_389 : vector<16xf32>
          %add3A_396 = arith.addf %add3A_394, %mul3A_395 : vector<16xf32>
          %swap3A_397 = arith.index_cast %scan3A_174 : i32 to index
          %swap3A_398 = arith.constant 80 : index
          %swap3A_399 = tpu.vector_load %arg21[%swap3A_397, %swap3A_398] {strides = array<i32>} : memref<16x224xf32, #tpu.memory_space<vmem>>, vector<16xf32>,
          tpu.vector_store %arg21[%swap3A_397, %swap3A_398], %add3A_396 {strides = array<i32>} : memref<16x224xf32, #tpu.memory_space<vmem>>, vector<16xf32>,
          %get3A_400 = arith.index_cast %scan3A_174 : i32 to index
          %get3A_401 = arith.constant 96 : index
          %get3A_402 = tpu.vector_load %arg13[%get3A_400, %get3A_401] {strides = array<i32>} : memref<16x224xi32, #tpu.memory_space<vmem>>, vector<16xi32>,
          %get3A_403 = arith.index_cast %scan3A_174 : i32 to index
          %get3A_404 = arith.constant 96 : index
          %get3A_405 = tpu.vector_load %arg14[%get3A_403, %get3A_404] {strides = array<i32>} : memref<16x224xi32, #tpu.memory_space<vmem>>, vector<16xi32>,
          %get3A_406 = arith.index_cast %scan3A_174 : i32 to index
          %get3A_407 = arith.constant 96 : index
          %get3A_408 = tpu.vector_load %arg15[%get3A_406, %get3A_407] {strides = array<i32>} : memref<16x224xi32, #tpu.memory_space<vmem>>, vector<16xi32>,
          %get3A_409 = arith.index_cast %scan3A_174 : i32 to index
          %get3A_410 = arith.constant 96 : index
          %get3A_411 = tpu.vector_load %arg16[%get3A_409, %get3A_410] {strides = array<i32>} : memref<16x224xi32, #tpu.memory_space<vmem>>, vector<16xi32>,
          %get3A_412 = arith.index_cast %scan3A_174 : i32 to index
          %get3A_413 = arith.constant 96 : index
          %get3A_414 = tpu.vector_load %arg17[%get3A_412, %get3A_413] {strides = array<i32>} : memref<16x224xf32, #tpu.memory_space<vmem>>, vector<16xf32>,
          %get3A_415 = arith.index_cast %scan3A_174 : i32 to index
          %get3A_416 = arith.constant 96 : index
          %get3A_417 = tpu.vector_load %arg18[%get3A_415, %get3A_416] {strides = array<i32>} : memref<16x224xf32, #tpu.memory_space<vmem>>, vector<16xf32>,
          %get3A_418 = arith.index_cast %scan3A_174 : i32 to index
          %get3A_419 = arith.constant 96 : index
          %get3A_420 = tpu.vector_load %arg19[%get3A_418, %get3A_419] {strides = array<i32>} : memref<16x224xf32, #tpu.memory_space<vmem>>, vector<16xf32>,
          %get3A_421 = arith.index_cast %scan3A_174 : i32 to index
          %get3A_422 = arith.constant 96 : index
          %get3A_423 = tpu.vector_load %arg20[%get3A_421, %get3A_422] {strides = array<i32>} : memref<16x224xf32, #tpu.memory_space<vmem>>, vector<16xf32>,
          %gather3A_424 = tpu.vector_load_idx %arg12[%get3A_402, %get3A_408] : memref<224x224xf32, #tpu.memory_space<vmem>>[vector<16xi32>, vector<16xi32>], vector<16xf32>,
          %gather3A_425 = tpu.vector_load_idx %arg12[%get3A_402, %get3A_411] : memref<224x224xf32, #tpu.memory_space<vmem>>[vector<16xi32>, vector<16xi32>], vector<16xf32>,
          %gather3A_426 = tpu.vector_load_idx %arg12[%get3A_405, %get3A_408] : memref<224x224xf32, #tpu.memory_space<vmem>>[vector<16xi32>, vector<16xi32>], vector<16xf32>,
          %gather3A_427 = tpu.vector_load_idx %arg12[%get3A_405, %get3A_411] : memref<224x224xf32, #tpu.memory_space<vmem>>[vector<16xi32>, vector<16xi32>], vector<16xf32>,
          %mul3A_428 = arith.mulf %get3A_414, %gather3A_424 : vector<16xf32>
          %mul3A_429 = arith.mulf %get3A_417, %gather3A_425 : vector<16xf32>
          %add3A_430 = arith.addf %mul3A_428, %mul3A_429 : vector<16xf32>
          %mul3A_431 = arith.mulf %get3A_420, %gather3A_426 : vector<16xf32>
          %add3A_432 = arith.addf %add3A_430, %mul3A_431 : vector<16xf32>
          %mul3A_433 = arith.mulf %get3A_423, %gather3A_427 : vector<16xf32>
          %add3A_434 = arith.addf %add3A_432, %mul3A_433 : vector<16xf32>
          %swap3A_435 = arith.index_cast %scan3A_174 : i32 to index
          %swap3A_436 = arith.constant 96 : index
          %swap3A_437 = tpu.vector_load %arg21[%swap3A_435, %swap3A_436] {strides = array<i32>} : memref<16x224xf32, #tpu.memory_space<vmem>>, vector<16xf32>,
          tpu.vector_store %arg21[%swap3A_435, %swap3A_436], %add3A_434 {strides = array<i32>} : memref<16x224xf32, #tpu.memory_space<vmem>>, vector<16xf32>,
          %get3A_438 = arith.index_cast %scan3A_174 : i32 to index
          %get3A_439 = arith.constant 112 : index
          %get3A_440 = tpu.vector_load %arg13[%get3A_438, %get3A_439] {strides = array<i32>} : memref<16x224xi32, #tpu.memory_space<vmem>>, vector<16xi32>,
          %get3A_441 = arith.index_cast %scan3A_174 : i32 to index
          %get3A_442 = arith.constant 112 : index
          %get3A_443 = tpu.vector_load %arg14[%get3A_441, %get3A_442] {strides = array<i32>} : memref<16x224xi32, #tpu.memory_space<vmem>>, vector<16xi32>,
          %get3A_444 = arith.index_cast %scan3A_174 : i32 to index
          %get3A_445 = arith.constant 112 : index
          %get3A_446 = tpu.vector_load %arg15[%get3A_444, %get3A_445] {strides = array<i32>} : memref<16x224xi32, #tpu.memory_space<vmem>>, vector<16xi32>,
          %get3A_447 = arith.index_cast %scan3A_174 : i32 to index
          %get3A_448 = arith.constant 112 : index
          %get3A_449 = tpu.vector_load %arg16[%get3A_447, %get3A_448] {strides = array<i32>} : memref<16x224xi32, #tpu.memory_space<vmem>>, vector<16xi32>,
          %get3A_450 = arith.index_cast %scan3A_174 : i32 to index
          %get3A_451 = arith.constant 112 : index
          %get3A_452 = tpu.vector_load %arg17[%get3A_450, %get3A_451] {strides = array<i32>} : memref<16x224xf32, #tpu.memory_space<vmem>>, vector<16xf32>,
          %get3A_453 = arith.index_cast %scan3A_174 : i32 to index
          %get3A_454 = arith.constant 112 : index
          %get3A_455 = tpu.vector_load %arg18[%get3A_453, %get3A_454] {strides = array<i32>} : memref<16x224xf32, #tpu.memory_space<vmem>>, vector<16xf32>,
          %get3A_456 = arith.index_cast %scan3A_174 : i32 to index
          %get3A_457 = arith.constant 112 : index
          %get3A_458 = tpu.vector_load %arg19[%get3A_456, %get3A_457] {strides = array<i32>} : memref<16x224xf32, #tpu.memory_space<vmem>>, vector<16xf32>,
          %get3A_459 = arith.index_cast %scan3A_174 : i32 to index
          %get3A_460 = arith.constant 112 : index
          %get3A_461 = tpu.vector_load %arg20[%get3A_459, %get3A_460] {strides = array<i32>} : memref<16x224xf32, #tpu.memory_space<vmem>>, vector<16xf32>,
          %gather3A_462 = tpu.vector_load_idx %arg12[%get3A_440, %get3A_446] : memref<224x224xf32, #tpu.memory_space<vmem>>[vector<16xi32>, vector<16xi32>], vector<16xf32>,
          %gather3A_463 = tpu.vector_load_idx %arg12[%get3A_440, %get3A_449] : memref<224x224xf32, #tpu.memory_space<vmem>>[vector<16xi32>, vector<16xi32>], vector<16xf32>,
          %gather3A_464 = tpu.vector_load_idx %arg12[%get3A_443, %get3A_446] : memref<224x224xf32, #tpu.memory_space<vmem>>[vector<16xi32>, vector<16xi32>], vector<16xf32>,
          %gather3A_465 = tpu.vector_load_idx %arg12[%get3A_443, %get3A_449] : memref<224x224xf32, #tpu.memory_space<vmem>>[vector<16xi32>, vector<16xi32>], vector<16xf32>,
          %mul3A_466 = arith.mulf %get3A_452, %gather3A_462 : vector<16xf32>
          %mul3A_467 = arith.mulf %get3A_455, %gather3A_463 : vector<16xf32>
          %add3A_468 = arith.addf %mul3A_466, %mul3A_467 : vector<16xf32>
          %mul3A_469 = arith.mulf %get3A_458, %gather3A_464 : vector<16xf32>
          %add3A_470 = arith.addf %add3A_468, %mul3A_469 : vector<16xf32>
          %mul3A_471 = arith.mulf %get3A_461, %gather3A_465 : vector<16xf32>
          %add3A_472 = arith.addf %add3A_470, %mul3A_471 : vector<16xf32>
          %swap3A_473 = arith.index_cast %scan3A_174 : i32 to index
          %swap3A_474 = arith.constant 112 : index
          %swap3A_475 = tpu.vector_load %arg21[%swap3A_473, %swap3A_474] {strides = array<i32>} : memref<16x224xf32, #tpu.memory_space<vmem>>, vector<16xf32>,
          tpu.vector_store %arg21[%swap3A_473, %swap3A_474], %add3A_472 {strides = array<i32>} : memref<16x224xf32, #tpu.memory_space<vmem>>, vector<16xf32>,
          %get3A_476 = arith.index_cast %scan3A_174 : i32 to index
          %get3A_477 = arith.constant 128 : index
          %get3A_478 = tpu.vector_load %arg13[%get3A_476, %get3A_477] {strides = array<i32>} : memref<16x224xi32, #tpu.memory_space<vmem>>, vector<16xi32>,
          %get3A_479 = arith.index_cast %scan3A_174 : i32 to index
          %get3A_480 = arith.constant 128 : index
          %get3A_481 = tpu.vector_load %arg14[%get3A_479, %get3A_480] {strides = array<i32>} : memref<16x224xi32, #tpu.memory_space<vmem>>, vector<16xi32>,
          %get3A_482 = arith.index_cast %scan3A_174 : i32 to index
          %get3A_483 = arith.constant 128 : index
          %get3A_484 = tpu.vector_load %arg15[%get3A_482, %get3A_483] {strides = array<i32>} : memref<16x224xi32, #tpu.memory_space<vmem>>, vector<16xi32>,
          %get3A_485 = arith.index_cast %scan3A_174 : i32 to index
          %get3A_486 = arith.constant 128 : index
          %get3A_487 = tpu.vector_load %arg16[%get3A_485, %get3A_486] {strides = array<i32>} : memref<16x224xi32, #tpu.memory_space<vmem>>, vector<16xi32>,
          %get3A_488 = arith.index_cast %scan3A_174 : i32 to index
          %get3A_489 = arith.constant 128 : index
          %get3A_490 = tpu.vector_load %arg17[%get3A_488, %get3A_489] {strides = array<i32>} : memref<16x224xf32, #tpu.memory_space<vmem>>, vector<16xf32>,
          %get3A_491 = arith.index_cast %scan3A_174 : i32 to index
          %get3A_492 = arith.constant 128 : index
          %get3A_493 = tpu.vector_load %arg18[%get3A_491, %get3A_492] {strides = array<i32>} : memref<16x224xf32, #tpu.memory_space<vmem>>, vector<16xf32>,
          %get3A_494 = arith.index_cast %scan3A_174 : i32 to index
          %get3A_495 = arith.constant 128 : index
          %get3A_496 = tpu.vector_load %arg19[%get3A_494, %get3A_495] {strides = array<i32>} : memref<16x224xf32, #tpu.memory_space<vmem>>, vector<16xf32>,
          %get3A_497 = arith.index_cast %scan3A_174 : i32 to index
          %get3A_498 = arith.constant 128 : index
          %get3A_499 = tpu.vector_load %arg20[%get3A_497, %get3A_498] {strides = array<i32>} : memref<16x224xf32, #tpu.memory_space<vmem>>, vector<16xf32>,
          %gather3A_500 = tpu.vector_load_idx %arg12[%get3A_478, %get3A_484] : memref<224x224xf32, #tpu.memory_space<vmem>>[vector<16xi32>, vector<16xi32>], vector<16xf32>,
          %gather3A_501 = tpu.vector_load_idx %arg12[%get3A_478, %get3A_487] : memref<224x224xf32, #tpu.memory_space<vmem>>[vector<16xi32>, vector<16xi32>], vector<16xf32>,
          %gather3A_502 = tpu.vector_load_idx %arg12[%get3A_481, %get3A_484] : memref<224x224xf32, #tpu.memory_space<vmem>>[vector<16xi32>, vector<16xi32>], vector<16xf32>,
          %gather3A_503 = tpu.vector_load_idx %arg12[%get3A_481, %get3A_487] : memref<224x224xf32, #tpu.memory_space<vmem>>[vector<16xi32>, vector<16xi32>], vector<16xf32>,
          %mul3A_504 = arith.mulf %get3A_490, %gather3A_500 : vector<16xf32>
          %mul3A_505 = arith.mulf %get3A_493, %gather3A_501 : vector<16xf32>
          %add3A_506 = arith.addf %mul3A_504, %mul3A_505 : vector<16xf32>
          %mul3A_507 = arith.mulf %get3A_496, %gather3A_502 : vector<16xf32>
          %add3A_508 = arith.addf %add3A_506, %mul3A_507 : vector<16xf32>
          %mul3A_509 = arith.mulf %get3A_499, %gather3A_503 : vector<16xf32>
          %add3A_510 = arith.addf %add3A_508, %mul3A_509 : vector<16xf32>
          %swap3A_511 = arith.index_cast %scan3A_174 : i32 to index
          %swap3A_512 = arith.constant 128 : index
          %swap3A_513 = tpu.vector_load %arg21[%swap3A_511, %swap3A_512] {strides = array<i32>} : memref<16x224xf32, #tpu.memory_space<vmem>>, vector<16xf32>,
          tpu.vector_store %arg21[%swap3A_511, %swap3A_512], %add3A_510 {strides = array<i32>} : memref<16x224xf32, #tpu.memory_space<vmem>>, vector<16xf32>,
          %get3A_514 = arith.index_cast %scan3A_174 : i32 to index
          %get3A_515 = arith.constant 144 : index
          %get3A_516 = tpu.vector_load %arg13[%get3A_514, %get3A_515] {strides = array<i32>} : memref<16x224xi32, #tpu.memory_space<vmem>>, vector<16xi32>,
          %get3A_517 = arith.index_cast %scan3A_174 : i32 to index
          %get3A_518 = arith.constant 144 : index
          %get3A_519 = tpu.vector_load %arg14[%get3A_517, %get3A_518] {strides = array<i32>} : memref<16x224xi32, #tpu.memory_space<vmem>>, vector<16xi32>,
          %get3A_520 = arith.index_cast %scan3A_174 : i32 to index
          %get3A_521 = arith.constant 144 : index
          %get3A_522 = tpu.vector_load %arg15[%get3A_520, %get3A_521] {strides = array<i32>} : memref<16x224xi32, #tpu.memory_space<vmem>>, vector<16xi32>,
          %get3A_523 = arith.index_cast %scan3A_174 : i32 to index
          %get3A_524 = arith.constant 144 : index
          %get3A_525 = tpu.vector_load %arg16[%get3A_523, %get3A_524] {strides = array<i32>} : memref<16x224xi32, #tpu.memory_space<vmem>>, vector<16xi32>,
          %get3A_526 = arith.index_cast %scan3A_174 : i32 to index
          %get3A_527 = arith.constant 144 : index
          %get3A_528 = tpu.vector_load %arg17[%get3A_526, %get3A_527] {strides = array<i32>} : memref<16x224xf32, #tpu.memory_space<vmem>>, vector<16xf32>,
          %get3A_529 = arith.index_cast %scan3A_174 : i32 to index
          %get3A_530 = arith.constant 144 : index
          %get3A_531 = tpu.vector_load %arg18[%get3A_529, %get3A_530] {strides = array<i32>} : memref<16x224xf32, #tpu.memory_space<vmem>>, vector<16xf32>,
          %get3A_532 = arith.index_cast %scan3A_174 : i32 to index
          %get3A_533 = arith.constant 144 : index
          %get3A_534 = tpu.vector_load %arg19[%get3A_532, %get3A_533] {strides = array<i32>} : memref<16x224xf32, #tpu.memory_space<vmem>>, vector<16xf32>,
          %get3A_535 = arith.index_cast %scan3A_174 : i32 to index
          %get3A_536 = arith.constant 144 : index
          %get3A_537 = tpu.vector_load %arg20[%get3A_535, %get3A_536] {strides = array<i32>} : memref<16x224xf32, #tpu.memory_space<vmem>>, vector<16xf32>,
          %gather3A_538 = tpu.vector_load_idx %arg12[%get3A_516, %get3A_522] : memref<224x224xf32, #tpu.memory_space<vmem>>[vector<16xi32>, vector<16xi32>], vector<16xf32>,
          %gather3A_539 = tpu.vector_load_idx %arg12[%get3A_516, %get3A_525] : memref<224x224xf32, #tpu.memory_space<vmem>>[vector<16xi32>, vector<16xi32>], vector<16xf32>,
          %gather3A_540 = tpu.vector_load_idx %arg12[%get3A_519, %get3A_522] : memref<224x224xf32, #tpu.memory_space<vmem>>[vector<16xi32>, vector<16xi32>], vector<16xf32>,
          %gather3A_541 = tpu.vector_load_idx %arg12[%get3A_519, %get3A_525] : memref<224x224xf32, #tpu.memory_space<vmem>>[vector<16xi32>, vector<16xi32>], vector<16xf32>,
          %mul3A_542 = arith.mulf %get3A_528, %gather3A_538 : vector<16xf32>
          %mul3A_543 = arith.mulf %get3A_531, %gather3A_539 : vector<16xf32>
          %add3A_544 = arith.addf %mul3A_542, %mul3A_543 : vector<16xf32>
          %mul3A_545 = arith.mulf %get3A_534, %gather3A_540 : vector<16xf32>
          %add3A_546 = arith.addf %add3A_544, %mul3A_545 : vector<16xf32>
          %mul3A_547 = arith.mulf %get3A_537, %gather3A_541 : vector<16xf32>
          %add3A_548 = arith.addf %add3A_546, %mul3A_547 : vector<16xf32>
          %swap3A_549 = arith.index_cast %scan3A_174 : i32 to index
          %swap3A_550 = arith.constant 144 : index
          %swap3A_551 = tpu.vector_load %arg21[%swap3A_549, %swap3A_550] {strides = array<i32>} : memref<16x224xf32, #tpu.memory_space<vmem>>, vector<16xf32>,
          tpu.vector_store %arg21[%swap3A_549, %swap3A_550], %add3A_548 {strides = array<i32>} : memref<16x224xf32, #tpu.memory_space<vmem>>, vector<16xf32>,
          %get3A_552 = arith.index_cast %scan3A_174 : i32 to index
          %get3A_553 = arith.constant 160 : index
          %get3A_554 = tpu.vector_load %arg13[%get3A_552, %get3A_553] {strides = array<i32>} : memref<16x224xi32, #tpu.memory_space<vmem>>, vector<16xi32>,
          %get3A_555 = arith.index_cast %scan3A_174 : i32 to index
          %get3A_556 = arith.constant 160 : index
          %get3A_557 = tpu.vector_load %arg14[%get3A_555, %get3A_556] {strides = array<i32>} : memref<16x224xi32, #tpu.memory_space<vmem>>, vector<16xi32>,
          %get3A_558 = arith.index_cast %scan3A_174 : i32 to index
          %get3A_559 = arith.constant 160 : index
          %get3A_560 = tpu.vector_load %arg15[%get3A_558, %get3A_559] {strides = array<i32>} : memref<16x224xi32, #tpu.memory_space<vmem>>, vector<16xi32>,
          %get3A_561 = arith.index_cast %scan3A_174 : i32 to index
          %get3A_562 = arith.constant 160 : index
          %get3A_563 = tpu.vector_load %arg16[%get3A_561, %get3A_562] {strides = array<i32>} : memref<16x224xi32, #tpu.memory_space<vmem>>, vector<16xi32>,
          %get3A_564 = arith.index_cast %scan3A_174 : i32 to index
          %get3A_565 = arith.constant 160 : index
          %get3A_566 = tpu.vector_load %arg17[%get3A_564, %get3A_565] {strides = array<i32>} : memref<16x224xf32, #tpu.memory_space<vmem>>, vector<16xf32>,
          %get3A_567 = arith.index_cast %scan3A_174 : i32 to index
          %get3A_568 = arith.constant 160 : index
          %get3A_569 = tpu.vector_load %arg18[%get3A_567, %get3A_568] {strides = array<i32>} : memref<16x224xf32, #tpu.memory_space<vmem>>, vector<16xf32>,
          %get3A_570 = arith.index_cast %scan3A_174 : i32 to index
          %get3A_571 = arith.constant 160 : index
          %get3A_572 = tpu.vector_load %arg19[%get3A_570, %get3A_571] {strides = array<i32>} : memref<16x224xf32, #tpu.memory_space<vmem>>, vector<16xf32>,
          %get3A_573 = arith.index_cast %scan3A_174 : i32 to index
          %get3A_574 = arith.constant 160 : index
          %get3A_575 = tpu.vector_load %arg20[%get3A_573, %get3A_574] {strides = array<i32>} : memref<16x224xf32, #tpu.memory_space<vmem>>, vector<16xf32>,
          %gather3A_576 = tpu.vector_load_idx %arg12[%get3A_554, %get3A_560] : memref<224x224xf32, #tpu.memory_space<vmem>>[vector<16xi32>, vector<16xi32>], vector<16xf32>,
          %gather3A_577 = tpu.vector_load_idx %arg12[%get3A_554, %get3A_563] : memref<224x224xf32, #tpu.memory_space<vmem>>[vector<16xi32>, vector<16xi32>], vector<16xf32>,
          %gather3A_578 = tpu.vector_load_idx %arg12[%get3A_557, %get3A_560] : memref<224x224xf32, #tpu.memory_space<vmem>>[vector<16xi32>, vector<16xi32>], vector<16xf32>,
          %gather3A_579 = tpu.vector_load_idx %arg12[%get3A_557, %get3A_563] : memref<224x224xf32, #tpu.memory_space<vmem>>[vector<16xi32>, vector<16xi32>], vector<16xf32>,
          %mul3A_580 = arith.mulf %get3A_566, %gather3A_576 : vector<16xf32>
          %mul3A_581 = arith.mulf %get3A_569, %gather3A_577 : vector<16xf32>
          %add3A_582 = arith.addf %mul3A_580, %mul3A_581 : vector<16xf32>
          %mul3A_583 = arith.mulf %get3A_572, %gather3A_578 : vector<16xf32>
          %add3A_584 = arith.addf %add3A_582, %mul3A_583 : vector<16xf32>
          %mul3A_585 = arith.mulf %get3A_575, %gather3A_579 : vector<16xf32>
          %add3A_586 = arith.addf %add3A_584, %mul3A_585 : vector<16xf32>
          %swap3A_587 = arith.index_cast %scan3A_174 : i32 to index
          %swap3A_588 = arith.constant 160 : index
          %swap3A_589 = tpu.vector_load %arg21[%swap3A_587, %swap3A_588] {strides = array<i32>} : memref<16x224xf32, #tpu.memory_space<vmem>>, vector<16xf32>,
          tpu.vector_store %arg21[%swap3A_587, %swap3A_588], %add3A_586 {strides = array<i32>} : memref<16x224xf32, #tpu.memory_space<vmem>>, vector<16xf32>,
          %get3A_590 = arith.index_cast %scan3A_174 : i32 to index
          %get3A_591 = arith.constant 176 : index
          %get3A_592 = tpu.vector_load %arg13[%get3A_590, %get3A_591] {strides = array<i32>} : memref<16x224xi32, #tpu.memory_space<vmem>>, vector<16xi32>,
          %get3A_593 = arith.index_cast %scan3A_174 : i32 to index
          %get3A_594 = arith.constant 176 : index
          %get3A_595 = tpu.vector_load %arg14[%get3A_593, %get3A_594] {strides = array<i32>} : memref<16x224xi32, #tpu.memory_space<vmem>>, vector<16xi32>,
          %get3A_596 = arith.index_cast %scan3A_174 : i32 to index
          %get3A_597 = arith.constant 176 : index
          %get3A_598 = tpu.vector_load %arg15[%get3A_596, %get3A_597] {strides = array<i32>} : memref<16x224xi32, #tpu.memory_space<vmem>>, vector<16xi32>,
          %get3A_599 = arith.index_cast %scan3A_174 : i32 to index
          %get3A_600 = arith.constant 176 : index
          %get3A_601 = tpu.vector_load %arg16[%get3A_599, %get3A_600] {strides = array<i32>} : memref<16x224xi32, #tpu.memory_space<vmem>>, vector<16xi32>,
          %get3A_602 = arith.index_cast %scan3A_174 : i32 to index
          %get3A_603 = arith.constant 176 : index
          %get3A_604 = tpu.vector_load %arg17[%get3A_602, %get3A_603] {strides = array<i32>} : memref<16x224xf32, #tpu.memory_space<vmem>>, vector<16xf32>,
          %get3A_605 = arith.index_cast %scan3A_174 : i32 to index
          %get3A_606 = arith.constant 176 : index
          %get3A_607 = tpu.vector_load %arg18[%get3A_605, %get3A_606] {strides = array<i32>} : memref<16x224xf32, #tpu.memory_space<vmem>>, vector<16xf32>,
          %get3A_608 = arith.index_cast %scan3A_174 : i32 to index
          %get3A_609 = arith.constant 176 : index
          %get3A_610 = tpu.vector_load %arg19[%get3A_608, %get3A_609] {strides = array<i32>} : memref<16x224xf32, #tpu.memory_space<vmem>>, vector<16xf32>,
          %get3A_611 = arith.index_cast %scan3A_174 : i32 to index
          %get3A_612 = arith.constant 176 : index
          %get3A_613 = tpu.vector_load %arg20[%get3A_611, %get3A_612] {strides = array<i32>} : memref<16x224xf32, #tpu.memory_space<vmem>>, vector<16xf32>,
          %gather3A_614 = tpu.vector_load_idx %arg12[%get3A_592, %get3A_598] : memref<224x224xf32, #tpu.memory_space<vmem>>[vector<16xi32>, vector<16xi32>], vector<16xf32>,
          %gather3A_615 = tpu.vector_load_idx %arg12[%get3A_592, %get3A_601] : memref<224x224xf32, #tpu.memory_space<vmem>>[vector<16xi32>, vector<16xi32>], vector<16xf32>,
          %gather3A_616 = tpu.vector_load_idx %arg12[%get3A_595, %get3A_598] : memref<224x224xf32, #tpu.memory_space<vmem>>[vector<16xi32>, vector<16xi32>], vector<16xf32>,
          %gather3A_617 = tpu.vector_load_idx %arg12[%get3A_595, %get3A_601] : memref<224x224xf32, #tpu.memory_space<vmem>>[vector<16xi32>, vector<16xi32>], vector<16xf32>,
          %mul3A_618 = arith.mulf %get3A_604, %gather3A_614 : vector<16xf32>
          %mul3A_619 = arith.mulf %get3A_607, %gather3A_615 : vector<16xf32>
          %add3A_620 = arith.addf %mul3A_618, %mul3A_619 : vector<16xf32>
          %mul3A_621 = arith.mulf %get3A_610, %gather3A_616 : vector<16xf32>
          %add3A_622 = arith.addf %add3A_620, %mul3A_621 : vector<16xf32>
          %mul3A_623 = arith.mulf %get3A_613, %gather3A_617 : vector<16xf32>
          %add3A_624 = arith.addf %add3A_622, %mul3A_623 : vector<16xf32>
          %swap3A_625 = arith.index_cast %scan3A_174 : i32 to index
          %swap3A_626 = arith.constant 176 : index
          %swap3A_627 = tpu.vector_load %arg21[%swap3A_625, %swap3A_626] {strides = array<i32>} : memref<16x224xf32, #tpu.memory_space<vmem>>, vector<16xf32>,
          tpu.vector_store %arg21[%swap3A_625, %swap3A_626], %add3A_624 {strides = array<i32>} : memref<16x224xf32, #tpu.memory_space<vmem>>, vector<16xf32>,
          %get3A_628 = arith.index_cast %scan3A_174 : i32 to index
          %get3A_629 = arith.constant 192 : index
          %get3A_630 = tpu.vector_load %arg13[%get3A_628, %get3A_629] {strides = array<i32>} : memref<16x224xi32, #tpu.memory_space<vmem>>, vector<16xi32>,
          %get3A_631 = arith.index_cast %scan3A_174 : i32 to index
          %get3A_632 = arith.constant 192 : index
          %get3A_633 = tpu.vector_load %arg14[%get3A_631, %get3A_632] {strides = array<i32>} : memref<16x224xi32, #tpu.memory_space<vmem>>, vector<16xi32>,
          %get3A_634 = arith.index_cast %scan3A_174 : i32 to index
          %get3A_635 = arith.constant 192 : index
          %get3A_636 = tpu.vector_load %arg15[%get3A_634, %get3A_635] {strides = array<i32>} : memref<16x224xi32, #tpu.memory_space<vmem>>, vector<16xi32>,
          %get3A_637 = arith.index_cast %scan3A_174 : i32 to index
          %get3A_638 = arith.constant 192 : index
          %get3A_639 = tpu.vector_load %arg16[%get3A_637, %get3A_638] {strides = array<i32>} : memref<16x224xi32, #tpu.memory_space<vmem>>, vector<16xi32>,
          %get3A_640 = arith.index_cast %scan3A_174 : i32 to index
          %get3A_641 = arith.constant 192 : index
          %get3A_642 = tpu.vector_load %arg17[%get3A_640, %get3A_641] {strides = array<i32>} : memref<16x224xf32, #tpu.memory_space<vmem>>, vector<16xf32>,
          %get3A_643 = arith.index_cast %scan3A_174 : i32 to index
          %get3A_644 = arith.constant 192 : index
          %get3A_645 = tpu.vector_load %arg18[%get3A_643, %get3A_644] {strides = array<i32>} : memref<16x224xf32, #tpu.memory_space<vmem>>, vector<16xf32>,
          %get3A_646 = arith.index_cast %scan3A_174 : i32 to index
          %get3A_647 = arith.constant 192 : index
          %get3A_648 = tpu.vector_load %arg19[%get3A_646, %get3A_647] {strides = array<i32>} : memref<16x224xf32, #tpu.memory_space<vmem>>, vector<16xf32>,
          %get3A_649 = arith.index_cast %scan3A_174 : i32 to index
          %get3A_650 = arith.constant 192 : index
          %get3A_651 = tpu.vector_load %arg20[%get3A_649, %get3A_650] {strides = array<i32>} : memref<16x224xf32, #tpu.memory_space<vmem>>, vector<16xf32>,
          %gather3A_652 = tpu.vector_load_idx %arg12[%get3A_630, %get3A_636] : memref<224x224xf32, #tpu.memory_space<vmem>>[vector<16xi32>, vector<16xi32>], vector<16xf32>,
          %gather3A_653 = tpu.vector_load_idx %arg12[%get3A_630, %get3A_639] : memref<224x224xf32, #tpu.memory_space<vmem>>[vector<16xi32>, vector<16xi32>], vector<16xf32>,
          %gather3A_654 = tpu.vector_load_idx %arg12[%get3A_633, %get3A_636] : memref<224x224xf32, #tpu.memory_space<vmem>>[vector<16xi32>, vector<16xi32>], vector<16xf32>,
          %gather3A_655 = tpu.vector_load_idx %arg12[%get3A_633, %get3A_639] : memref<224x224xf32, #tpu.memory_space<vmem>>[vector<16xi32>, vector<16xi32>], vector<16xf32>,
          %mul3A_656 = arith.mulf %get3A_642, %gather3A_652 : vector<16xf32>
          %mul3A_657 = arith.mulf %get3A_645, %gather3A_653 : vector<16xf32>
          %add3A_658 = arith.addf %mul3A_656, %mul3A_657 : vector<16xf32>
          %mul3A_659 = arith.mulf %get3A_648, %gather3A_654 : vector<16xf32>
          %add3A_660 = arith.addf %add3A_658, %mul3A_659 : vector<16xf32>
          %mul3A_661 = arith.mulf %get3A_651, %gather3A_655 : vector<16xf32>
          %add3A_662 = arith.addf %add3A_660, %mul3A_661 : vector<16xf32>
          %swap3A_663 = arith.index_cast %scan3A_174 : i32 to index
          %swap3A_664 = arith.constant 192 : index
          %swap3A_665 = tpu.vector_load %arg21[%swap3A_663, %swap3A_664] {strides = array<i32>} : memref<16x224xf32, #tpu.memory_space<vmem>>, vector<16xf32>,
          tpu.vector_store %arg21[%swap3A_663, %swap3A_664], %add3A_662 {strides = array<i32>} : memref<16x224xf32, #tpu.memory_space<vmem>>, vector<16xf32>,
          %get3A_666 = arith.index_cast %scan3A_174 : i32 to index
          %get3A_667 = arith.constant 208 : index
          %get3A_668 = tpu.vector_load %arg13[%get3A_666, %get3A_667] {strides = array<i32>} : memref<16x224xi32, #tpu.memory_space<vmem>>, vector<16xi32>,
          %get3A_669 = arith.index_cast %scan3A_174 : i32 to index
          %get3A_670 = arith.constant 208 : index
          %get3A_671 = tpu.vector_load %arg14[%get3A_669, %get3A_670] {strides = array<i32>} : memref<16x224xi32, #tpu.memory_space<vmem>>, vector<16xi32>,
          %get3A_672 = arith.index_cast %scan3A_174 : i32 to index
          %get3A_673 = arith.constant 208 : index
          %get3A_674 = tpu.vector_load %arg15[%get3A_672, %get3A_673] {strides = array<i32>} : memref<16x224xi32, #tpu.memory_space<vmem>>, vector<16xi32>,
          %get3A_675 = arith.index_cast %scan3A_174 : i32 to index
          %get3A_676 = arith.constant 208 : index
          %get3A_677 = tpu.vector_load %arg16[%get3A_675, %get3A_676] {strides = array<i32>} : memref<16x224xi32, #tpu.memory_space<vmem>>, vector<16xi32>,
          %get3A_678 = arith.index_cast %scan3A_174 : i32 to index
          %get3A_679 = arith.constant 208 : index
          %get3A_680 = tpu.vector_load %arg17[%get3A_678, %get3A_679] {strides = array<i32>} : memref<16x224xf32, #tpu.memory_space<vmem>>, vector<16xf32>,
          %get3A_681 = arith.index_cast %scan3A_174 : i32 to index
          %get3A_682 = arith.constant 208 : index
          %get3A_683 = tpu.vector_load %arg18[%get3A_681, %get3A_682] {strides = array<i32>} : memref<16x224xf32, #tpu.memory_space<vmem>>, vector<16xf32>,
          %get3A_684 = arith.index_cast %scan3A_174 : i32 to index
          %get3A_685 = arith.constant 208 : index
          %get3A_686 = tpu.vector_load %arg19[%get3A_684, %get3A_685] {strides = array<i32>} : memref<16x224xf32, #tpu.memory_space<vmem>>, vector<16xf32>,
          %get3A_687 = arith.index_cast %scan3A_174 : i32 to index
          %get3A_688 = arith.constant 208 : index
          %get3A_689 = tpu.vector_load %arg20[%get3A_687, %get3A_688] {strides = array<i32>} : memref<16x224xf32, #tpu.memory_space<vmem>>, vector<16xf32>,
          %gather3A_690 = tpu.vector_load_idx %arg12[%get3A_668, %get3A_674] : memref<224x224xf32, #tpu.memory_space<vmem>>[vector<16xi32>, vector<16xi32>], vector<16xf32>,
          %gather3A_691 = tpu.vector_load_idx %arg12[%get3A_668, %get3A_677] : memref<224x224xf32, #tpu.memory_space<vmem>>[vector<16xi32>, vector<16xi32>], vector<16xf32>,
          %gather3A_692 = tpu.vector_load_idx %arg12[%get3A_671, %get3A_674] : memref<224x224xf32, #tpu.memory_space<vmem>>[vector<16xi32>, vector<16xi32>], vector<16xf32>,
          %gather3A_693 = tpu.vector_load_idx %arg12[%get3A_671, %get3A_677] : memref<224x224xf32, #tpu.memory_space<vmem>>[vector<16xi32>, vector<16xi32>], vector<16xf32>,
          %mul3A_694 = arith.mulf %get3A_680, %gather3A_690 : vector<16xf32>
          %mul3A_695 = arith.mulf %get3A_683, %gather3A_691 : vector<16xf32>
          %add3A_696 = arith.addf %mul3A_694, %mul3A_695 : vector<16xf32>
          %mul3A_697 = arith.mulf %get3A_686, %gather3A_692 : vector<16xf32>
          %add3A_698 = arith.addf %add3A_696, %mul3A_697 : vector<16xf32>
          %mul3A_699 = arith.mulf %get3A_689, %gather3A_693 : vector<16xf32>
          %add3A_700 = arith.addf %add3A_698, %mul3A_699 : vector<16xf32>
          %swap3A_701 = arith.index_cast %scan3A_174 : i32 to index
          %swap3A_702 = arith.constant 208 : index
          %swap3A_703 = tpu.vector_load %arg21[%swap3A_701, %swap3A_702] {strides = array<i32>} : memref<16x224xf32, #tpu.memory_space<vmem>>, vector<16xf32>,
          tpu.vector_store %arg21[%swap3A_701, %swap3A_702], %add3A_700 {strides = array<i32>} : memref<16x224xf32, #tpu.memory_space<vmem>>, vector<16xf32>,
        }
        %scan3A_161 = arith.constant 16 : i32
        %dma_start3A_162 = arith.constant 0 : i32
        %dma_start3A_163 = tpu.memref_slice %arg11[%select_n3A, %add3A_38, %mul3A_60, %dma_start3A_162] : memref<8x96x224x224xf32, #tpu.memory_space<hbm>> -> memref<1x1x16x224xf32, #tpu.memory_space<hbm>>
        %dma_start3A_164 = tpu.memref_squeeze %dma_start3A_163 : memref<1x1x16x224xf32, #tpu.memory_space<hbm>> -> memref<16x224xf32, #tpu.memory_space<hbm>>
        %dma_start3A_165 = arith.constant 0 : i32
        %dma_start3A_166 = tpu.memref_slice %arg11[%select_n3A, %add3A_38, %mul3A_60, %dma_start3A_165] : memref<8x96x224x224xf32, #tpu.memory_space<hbm>> -> memref<1x1x16x224xf32, #tpu.memory_space<hbm>>
        %dma_start3A_167 = tpu.memref_squeeze %dma_start3A_166 : memref<1x1x16x224xf32, #tpu.memory_space<hbm>> -> memref<16x224xf32, #tpu.memory_space<hbm>>
        tpu.enqueue_dma source(%arg21 : memref<16x224xf32, #tpu.memory_space<vmem>>) target(%dma_start3A_167 : memref<16x224xf32, #tpu.memory_space<hbm>>) target_semaphore(%arg24 : memref<!tpu.dma_semaphore, #tpu.memory_space<semaphore_mem>>)
        %dma_wait3A_168 = arith.constant 0 : i32
        %dma_wait3A_169 = tpu.memref_slice %arg11[%select_n3A, %add3A_38, %mul3A_60, %dma_wait3A_168] : memref<8x96x224x224xf32, #tpu.memory_space<hbm>> -> memref<1x1x16x224xf32, #tpu.memory_space<hbm>>
        %dma_wait3A_170 = tpu.memref_squeeze %dma_wait3A_169 : memref<1x1x16x224xf32, #tpu.memory_space<hbm>> -> memref<16x224xf32, #tpu.memory_space<hbm>>
        %dma_wait3A_171 = arith.constant 0 : i32
        %dma_wait3A_172 = tpu.memref_slice %arg11[%select_n3A, %add3A_38, %mul3A_60, %dma_wait3A_171] : memref<8x96x224x224xf32, #tpu.memory_space<hbm>> -> memref<1x1x16x224xf32, #tpu.memory_space<hbm>>
        %dma_wait3A_173 = tpu.memref_squeeze %dma_wait3A_172 : memref<1x1x16x224xf32, #tpu.memory_space<hbm>> -> memref<16x224xf32, #tpu.memory_space<hbm>>
        tpu.wait_dma2 semaphore(%arg24 : memref<!tpu.dma_semaphore, #tpu.memory_space<semaphore_mem>>) src(%arg21 : memref<16x224xf32, #tpu.memory_space<vmem>>) dst(%dma_wait3A_173 : memref<16x224xf32, #tpu.memory_space<hbm>>)
      }
      %scan3A_57 = arith.constant 14 : i32
    }
    %scan3A_36 = arith.constant 24 : i32
    return
  }
}

module attributes {stable_mosaic.version = 14 : i64} {
  func.func @_prep_body(%arg0: i32, %arg1: memref<1x2x3xf32, #tpu.memory_space<smem>>, %arg2: memref<1x224x224xi32, #tpu.memory_space<vmem>>, %arg3: memref<1x224x224xi32, #tpu.memory_space<vmem>>, %arg4: memref<1x224x224xi32, #tpu.memory_space<vmem>>, %arg5: memref<1x224x224xi32, #tpu.memory_space<vmem>>, %arg6: memref<1x224x224xf32, #tpu.memory_space<vmem>>, %arg7: memref<1x224x224xf32, #tpu.memory_space<vmem>>, %arg8: memref<1x224x224xf32, #tpu.memory_space<vmem>>, %arg9: memref<1x224x224xf32, #tpu.memory_space<vmem>>) attributes {dimension_semantics = [#tpu.dimension_semantics<arbitrary>], iteration_bounds = array<i64: 8>, scalar_prefetch = 0 : i64, scratch_operands = 0 : i64, tpu.core_type = #tpu.core_type<tc>, window_params = [{transform_indices = @transform_0, window_bounds = array<i64: 1, 2, 3>}, {transform_indices = @transform_1, window_bounds = array<i64: 1, 224, 224>}, {transform_indices = @transform_2, window_bounds = array<i64: 1, 224, 224>}, {transform_indices = @transform_3, window_bounds = array<i64: 1, 224, 224>}, {transform_indices = @transform_4, window_bounds = array<i64: 1, 224, 224>}, {transform_indices = @transform_5, window_bounds = array<i64: 1, 224, 224>}, {transform_indices = @transform_6, window_bounds = array<i64: 1, 224, 224>}, {transform_indices = @transform_7, window_bounds = array<i64: 1, 224, 224>}, {transform_indices = @transform_8, window_bounds = array<i64: 1, 224, 224>}]} {
    %get3A = arith.constant 0 : index
    %get3A_0 = arith.constant 0 : index
    %get3A_1 = arith.constant 0 : index
    %get3A_2 = memref.load %arg1[%get3A, %get3A_0, %get3A_1] : memref<1x2x3xf32, #tpu.memory_space<smem>>
    %get3A_3 = arith.constant 0 : index
    %get3A_4 = arith.constant 0 : index
    %get3A_5 = arith.constant 1 : index
    %get3A_6 = memref.load %arg1[%get3A_3, %get3A_4, %get3A_5] : memref<1x2x3xf32, #tpu.memory_space<smem>>
    %get3A_7 = arith.constant 0 : index
    %get3A_8 = arith.constant 0 : index
    %get3A_9 = arith.constant 2 : index
    %get3A_10 = memref.load %arg1[%get3A_7, %get3A_8, %get3A_9] : memref<1x2x3xf32, #tpu.memory_space<smem>>
    %get3A_11 = arith.constant 0 : index
    %get3A_12 = arith.constant 1 : index
    %get3A_13 = arith.constant 0 : index
    %get3A_14 = memref.load %arg1[%get3A_11, %get3A_12, %get3A_13] : memref<1x2x3xf32, #tpu.memory_space<smem>>
    %get3A_15 = arith.constant 0 : index
    %get3A_16 = arith.constant 1 : index
    %get3A_17 = arith.constant 1 : index
    %get3A_18 = memref.load %arg1[%get3A_15, %get3A_16, %get3A_17] : memref<1x2x3xf32, #tpu.memory_space<smem>>
    %get3A_19 = arith.constant 0 : index
    %get3A_20 = arith.constant 1 : index
    %get3A_21 = arith.constant 2 : index
    %get3A_22 = memref.load %arg1[%get3A_19, %get3A_20, %get3A_21] : memref<1x2x3xf32, #tpu.memory_space<smem>>
    %iota3A = tpu.iota {dimensions = array<i32: 1>} : vector<224x224xi32>
    %convert_element_type3A = arith.sitofp %iota3A : vector<224x224xi32> to vector<224x224xf32>
    %iota3A_23 = tpu.iota {dimensions = array<i32: 0>} : vector<224x224xi32>
    %convert_element_type3A_24 = arith.sitofp %iota3A_23 : vector<224x224xi32> to vector<224x224xf32>
    %add3A = arith.constant 5.000000e-01 : f32
    %add3A_25 = vector.broadcast %add3A : f32 to vector<224x224xf32>
    %add3A_26 = arith.addf %convert_element_type3A, %add3A_25 : vector<224x224xf32>
    %mul3A = arith.constant 0.00892857183 : f32
    %mul3A_27 = vector.broadcast %mul3A : f32 to vector<224x224xf32>
    %mul3A_28 = arith.mulf %add3A_26, %mul3A_27 : vector<224x224xf32>
    %sub3A = arith.constant 1.000000e+00 : f32
    %sub3A_29 = vector.broadcast %sub3A : f32 to vector<224x224xf32>
    %sub3A_30 = arith.subf %mul3A_28, %sub3A_29 : vector<224x224xf32>
    %bitcast_convert_type3A = tpu.bitcast %sub3A_30 : vector<224x224xf32> -> vector<224x224xi32>
    %add3A_31 = arith.constant 32767 : i32
    %add3A_32 = vector.broadcast %add3A_31 : i32 to vector<224x224xi32>
    %add3A_33 = arith.addi %bitcast_convert_type3A, %add3A_32 : vector<224x224xi32>
    %shift_right_arithmetic3A = arith.constant 16 : i32
    %shift_right_arithmetic3A_34 = vector.broadcast %shift_right_arithmetic3A : i32 to vector<224x224xi32>
    %shift_right_arithmetic3A_35 = arith.shrsi %bitcast_convert_type3A, %shift_right_arithmetic3A_34 : vector<224x224xi32>
    %and3A = arith.constant 1 : i32
    %and3A_36 = vector.broadcast %and3A : i32 to vector<224x224xi32>
    %and3A_37 = arith.andi %shift_right_arithmetic3A_35, %and3A_36 : vector<224x224xi32>
    %add3A_38 = arith.addi %add3A_33, %and3A_37 : vector<224x224xi32>
    %and3A_39 = arith.constant -65536 : i32
    %and3A_40 = vector.broadcast %and3A_39 : i32 to vector<224x224xi32>
    %and3A_41 = arith.andi %add3A_38, %and3A_40 : vector<224x224xi32>
    %bitcast_convert_type3A_42 = tpu.bitcast %and3A_41 : vector<224x224xi32> -> vector<224x224xf32>
    %add3A_43 = arith.constant 5.000000e-01 : f32
    %add3A_44 = vector.broadcast %add3A_43 : f32 to vector<224x224xf32>
    %add3A_45 = arith.addf %convert_element_type3A_24, %add3A_44 : vector<224x224xf32>
    %mul3A_46 = arith.constant 0.00892857183 : f32
    %mul3A_47 = vector.broadcast %mul3A_46 : f32 to vector<224x224xf32>
    %mul3A_48 = arith.mulf %add3A_45, %mul3A_47 : vector<224x224xf32>
    %sub3A_49 = arith.constant 1.000000e+00 : f32
    %sub3A_50 = vector.broadcast %sub3A_49 : f32 to vector<224x224xf32>
    %sub3A_51 = arith.subf %mul3A_48, %sub3A_50 : vector<224x224xf32>
    %bitcast_convert_type3A_52 = tpu.bitcast %sub3A_51 : vector<224x224xf32> -> vector<224x224xi32>
    %add3A_53 = arith.constant 32767 : i32
    %add3A_54 = vector.broadcast %add3A_53 : i32 to vector<224x224xi32>
    %add3A_55 = arith.addi %bitcast_convert_type3A_52, %add3A_54 : vector<224x224xi32>
    %shift_right_arithmetic3A_56 = arith.constant 16 : i32
    %shift_right_arithmetic3A_57 = vector.broadcast %shift_right_arithmetic3A_56 : i32 to vector<224x224xi32>
    %shift_right_arithmetic3A_58 = arith.shrsi %bitcast_convert_type3A_52, %shift_right_arithmetic3A_57 : vector<224x224xi32>
    %and3A_59 = arith.constant 1 : i32
    %and3A_60 = vector.broadcast %and3A_59 : i32 to vector<224x224xi32>
    %and3A_61 = arith.andi %shift_right_arithmetic3A_58, %and3A_60 : vector<224x224xi32>
    %add3A_62 = arith.addi %add3A_55, %and3A_61 : vector<224x224xi32>
    %and3A_63 = arith.constant -65536 : i32
    %and3A_64 = vector.broadcast %and3A_63 : i32 to vector<224x224xi32>
    %and3A_65 = arith.andi %add3A_62, %and3A_64 : vector<224x224xi32>
    %bitcast_convert_type3A_66 = tpu.bitcast %and3A_65 : vector<224x224xi32> -> vector<224x224xf32>
    %broadcast_in_dim3A = vector.broadcast %get3A_2 : f32 to vector<224x224xf32>
    %bitcast_convert_type3A_67 = tpu.bitcast %broadcast_in_dim3A : vector<224x224xf32> -> vector<224x224xi32>
    %add3A_68 = arith.constant 32767 : i32
    %add3A_69 = vector.broadcast %add3A_68 : i32 to vector<224x224xi32>
    %add3A_70 = arith.addi %bitcast_convert_type3A_67, %add3A_69 : vector<224x224xi32>
    %shift_right_arithmetic3A_71 = arith.constant 16 : i32
    %shift_right_arithmetic3A_72 = vector.broadcast %shift_right_arithmetic3A_71 : i32 to vector<224x224xi32>
    %shift_right_arithmetic3A_73 = arith.shrsi %bitcast_convert_type3A_67, %shift_right_arithmetic3A_72 : vector<224x224xi32>
    %and3A_74 = arith.constant 1 : i32
    %and3A_75 = vector.broadcast %and3A_74 : i32 to vector<224x224xi32>
    %and3A_76 = arith.andi %shift_right_arithmetic3A_73, %and3A_75 : vector<224x224xi32>
    %add3A_77 = arith.addi %add3A_70, %and3A_76 : vector<224x224xi32>
    %and3A_78 = arith.constant -65536 : i32
    %and3A_79 = vector.broadcast %and3A_78 : i32 to vector<224x224xi32>
    %and3A_80 = arith.andi %add3A_77, %and3A_79 : vector<224x224xi32>
    %bitcast_convert_type3A_81 = tpu.bitcast %and3A_80 : vector<224x224xi32> -> vector<224x224xf32>
    %broadcast_in_dim3A_82 = vector.broadcast %get3A_6 : f32 to vector<224x224xf32>
    %bitcast_convert_type3A_83 = tpu.bitcast %broadcast_in_dim3A_82 : vector<224x224xf32> -> vector<224x224xi32>
    %add3A_84 = arith.constant 32767 : i32
    %add3A_85 = vector.broadcast %add3A_84 : i32 to vector<224x224xi32>
    %add3A_86 = arith.addi %bitcast_convert_type3A_83, %add3A_85 : vector<224x224xi32>
    %shift_right_arithmetic3A_87 = arith.constant 16 : i32
    %shift_right_arithmetic3A_88 = vector.broadcast %shift_right_arithmetic3A_87 : i32 to vector<224x224xi32>
    %shift_right_arithmetic3A_89 = arith.shrsi %bitcast_convert_type3A_83, %shift_right_arithmetic3A_88 : vector<224x224xi32>
    %and3A_90 = arith.constant 1 : i32
    %and3A_91 = vector.broadcast %and3A_90 : i32 to vector<224x224xi32>
    %and3A_92 = arith.andi %shift_right_arithmetic3A_89, %and3A_91 : vector<224x224xi32>
    %add3A_93 = arith.addi %add3A_86, %and3A_92 : vector<224x224xi32>
    %and3A_94 = arith.constant -65536 : i32
    %and3A_95 = vector.broadcast %and3A_94 : i32 to vector<224x224xi32>
    %and3A_96 = arith.andi %add3A_93, %and3A_95 : vector<224x224xi32>
    %bitcast_convert_type3A_97 = tpu.bitcast %and3A_96 : vector<224x224xi32> -> vector<224x224xf32>
    %broadcast_in_dim3A_98 = vector.broadcast %get3A_10 : f32 to vector<224x224xf32>
    %bitcast_convert_type3A_99 = tpu.bitcast %broadcast_in_dim3A_98 : vector<224x224xf32> -> vector<224x224xi32>
    %add3A_100 = arith.constant 32767 : i32
    %add3A_101 = vector.broadcast %add3A_100 : i32 to vector<224x224xi32>
    %add3A_102 = arith.addi %bitcast_convert_type3A_99, %add3A_101 : vector<224x224xi32>
    %shift_right_arithmetic3A_103 = arith.constant 16 : i32
    %shift_right_arithmetic3A_104 = vector.broadcast %shift_right_arithmetic3A_103 : i32 to vector<224x224xi32>
    %shift_right_arithmetic3A_105 = arith.shrsi %bitcast_convert_type3A_99, %shift_right_arithmetic3A_104 : vector<224x224xi32>
    %and3A_106 = arith.constant 1 : i32
    %and3A_107 = vector.broadcast %and3A_106 : i32 to vector<224x224xi32>
    %and3A_108 = arith.andi %shift_right_arithmetic3A_105, %and3A_107 : vector<224x224xi32>
    %add3A_109 = arith.addi %add3A_102, %and3A_108 : vector<224x224xi32>
    %and3A_110 = arith.constant -65536 : i32
    %and3A_111 = vector.broadcast %and3A_110 : i32 to vector<224x224xi32>
    %and3A_112 = arith.andi %add3A_109, %and3A_111 : vector<224x224xi32>
    %bitcast_convert_type3A_113 = tpu.bitcast %and3A_112 : vector<224x224xi32> -> vector<224x224xf32>
    %broadcast_in_dim3A_114 = vector.broadcast %get3A_14 : f32 to vector<224x224xf32>
    %bitcast_convert_type3A_115 = tpu.bitcast %broadcast_in_dim3A_114 : vector<224x224xf32> -> vector<224x224xi32>
    %add3A_116 = arith.constant 32767 : i32
    %add3A_117 = vector.broadcast %add3A_116 : i32 to vector<224x224xi32>
    %add3A_118 = arith.addi %bitcast_convert_type3A_115, %add3A_117 : vector<224x224xi32>
    %shift_right_arithmetic3A_119 = arith.constant 16 : i32
    %shift_right_arithmetic3A_120 = vector.broadcast %shift_right_arithmetic3A_119 : i32 to vector<224x224xi32>
    %shift_right_arithmetic3A_121 = arith.shrsi %bitcast_convert_type3A_115, %shift_right_arithmetic3A_120 : vector<224x224xi32>
    %and3A_122 = arith.constant 1 : i32
    %and3A_123 = vector.broadcast %and3A_122 : i32 to vector<224x224xi32>
    %and3A_124 = arith.andi %shift_right_arithmetic3A_121, %and3A_123 : vector<224x224xi32>
    %add3A_125 = arith.addi %add3A_118, %and3A_124 : vector<224x224xi32>
    %and3A_126 = arith.constant -65536 : i32
    %and3A_127 = vector.broadcast %and3A_126 : i32 to vector<224x224xi32>
    %and3A_128 = arith.andi %add3A_125, %and3A_127 : vector<224x224xi32>
    %bitcast_convert_type3A_129 = tpu.bitcast %and3A_128 : vector<224x224xi32> -> vector<224x224xf32>
    %broadcast_in_dim3A_130 = vector.broadcast %get3A_18 : f32 to vector<224x224xf32>
    %bitcast_convert_type3A_131 = tpu.bitcast %broadcast_in_dim3A_130 : vector<224x224xf32> -> vector<224x224xi32>
    %add3A_132 = arith.constant 32767 : i32
    %add3A_133 = vector.broadcast %add3A_132 : i32 to vector<224x224xi32>
    %add3A_134 = arith.addi %bitcast_convert_type3A_131, %add3A_133 : vector<224x224xi32>
    %shift_right_arithmetic3A_135 = arith.constant 16 : i32
    %shift_right_arithmetic3A_136 = vector.broadcast %shift_right_arithmetic3A_135 : i32 to vector<224x224xi32>
    %shift_right_arithmetic3A_137 = arith.shrsi %bitcast_convert_type3A_131, %shift_right_arithmetic3A_136 : vector<224x224xi32>
    %and3A_138 = arith.constant 1 : i32
    %and3A_139 = vector.broadcast %and3A_138 : i32 to vector<224x224xi32>
    %and3A_140 = arith.andi %shift_right_arithmetic3A_137, %and3A_139 : vector<224x224xi32>
    %add3A_141 = arith.addi %add3A_134, %and3A_140 : vector<224x224xi32>
    %and3A_142 = arith.constant -65536 : i32
    %and3A_143 = vector.broadcast %and3A_142 : i32 to vector<224x224xi32>
    %and3A_144 = arith.andi %add3A_141, %and3A_143 : vector<224x224xi32>
    %bitcast_convert_type3A_145 = tpu.bitcast %and3A_144 : vector<224x224xi32> -> vector<224x224xf32>
    %broadcast_in_dim3A_146 = vector.broadcast %get3A_22 : f32 to vector<224x224xf32>
    %bitcast_convert_type3A_147 = tpu.bitcast %broadcast_in_dim3A_146 : vector<224x224xf32> -> vector<224x224xi32>
    %add3A_148 = arith.constant 32767 : i32
    %add3A_149 = vector.broadcast %add3A_148 : i32 to vector<224x224xi32>
    %add3A_150 = arith.addi %bitcast_convert_type3A_147, %add3A_149 : vector<224x224xi32>
    %shift_right_arithmetic3A_151 = arith.constant 16 : i32
    %shift_right_arithmetic3A_152 = vector.broadcast %shift_right_arithmetic3A_151 : i32 to vector<224x224xi32>
    %shift_right_arithmetic3A_153 = arith.shrsi %bitcast_convert_type3A_147, %shift_right_arithmetic3A_152 : vector<224x224xi32>
    %and3A_154 = arith.constant 1 : i32
    %and3A_155 = vector.broadcast %and3A_154 : i32 to vector<224x224xi32>
    %and3A_156 = arith.andi %shift_right_arithmetic3A_153, %and3A_155 : vector<224x224xi32>
    %add3A_157 = arith.addi %add3A_150, %and3A_156 : vector<224x224xi32>
    %and3A_158 = arith.constant -65536 : i32
    %and3A_159 = vector.broadcast %and3A_158 : i32 to vector<224x224xi32>
    %and3A_160 = arith.andi %add3A_157, %and3A_159 : vector<224x224xi32>
    %bitcast_convert_type3A_161 = tpu.bitcast %and3A_160 : vector<224x224xi32> -> vector<224x224xf32>
    %mul3A_162 = arith.mulf %bitcast_convert_type3A_81, %bitcast_convert_type3A_42 : vector<224x224xf32>
    %mul3A_163 = arith.mulf %bitcast_convert_type3A_97, %bitcast_convert_type3A_66 : vector<224x224xf32>
    %add3A_164 = arith.addf %mul3A_162, %mul3A_163 : vector<224x224xf32>
    %add3A_165 = arith.addf %add3A_164, %bitcast_convert_type3A_113 : vector<224x224xf32>
    %mul3A_166 = arith.mulf %bitcast_convert_type3A_129, %bitcast_convert_type3A_42 : vector<224x224xf32>
    %mul3A_167 = arith.mulf %bitcast_convert_type3A_145, %bitcast_convert_type3A_66 : vector<224x224xf32>
    %add3A_168 = arith.addf %mul3A_166, %mul3A_167 : vector<224x224xf32>
    %add3A_169 = arith.addf %add3A_168, %bitcast_convert_type3A_161 : vector<224x224xf32>
    %add3A_170 = arith.constant 1.000000e+00 : f32
    %add3A_171 = vector.broadcast %add3A_170 : f32 to vector<224x224xf32>
    %add3A_172 = arith.addf %add3A_165, %add3A_171 : vector<224x224xf32>
    %mul3A_173 = arith.constant 2.240000e+02 : f32
    %mul3A_174 = vector.broadcast %mul3A_173 : f32 to vector<224x224xf32>
    %mul3A_175 = arith.mulf %add3A_172, %mul3A_174 : vector<224x224xf32>
    %sub3A_176 = arith.constant 1.000000e+00 : f32
    %sub3A_177 = vector.broadcast %sub3A_176 : f32 to vector<224x224xf32>
    %sub3A_178 = arith.subf %mul3A_175, %sub3A_177 : vector<224x224xf32>
    %mul3A_179 = arith.constant 5.000000e-01 : f32
    %mul3A_180 = vector.broadcast %mul3A_179 : f32 to vector<224x224xf32>
    %mul3A_181 = arith.mulf %sub3A_178, %mul3A_180 : vector<224x224xf32>
    %add3A_182 = arith.constant 1.000000e+00 : f32
    %add3A_183 = vector.broadcast %add3A_182 : f32 to vector<224x224xf32>
    %add3A_184 = arith.addf %add3A_169, %add3A_183 : vector<224x224xf32>
    %mul3A_185 = arith.constant 2.240000e+02 : f32
    %mul3A_186 = vector.broadcast %mul3A_185 : f32 to vector<224x224xf32>
    %mul3A_187 = arith.mulf %add3A_184, %mul3A_186 : vector<224x224xf32>
    %sub3A_188 = arith.constant 1.000000e+00 : f32
    %sub3A_189 = vector.broadcast %sub3A_188 : f32 to vector<224x224xf32>
    %sub3A_190 = arith.subf %mul3A_187, %sub3A_189 : vector<224x224xf32>
    %mul3A_191 = arith.constant 5.000000e-01 : f32
    %mul3A_192 = vector.broadcast %mul3A_191 : f32 to vector<224x224xf32>
    %mul3A_193 = arith.mulf %sub3A_190, %mul3A_192 : vector<224x224xf32>
    %floor3A = math.floor %mul3A_181 : vector<224x224xf32>
    %floor3A_194 = math.floor %mul3A_193 : vector<224x224xf32>
    %sub3A_195 = arith.subf %mul3A_181, %floor3A : vector<224x224xf32>
    %sub3A_196 = arith.constant 1.000000e+00 : f32
    %sub3A_197 = vector.broadcast %sub3A_196 : f32 to vector<224x224xf32>
    %sub3A_198 = arith.subf %sub3A_197, %sub3A_195 : vector<224x224xf32>
    %sub3A_199 = arith.subf %mul3A_193, %floor3A_194 : vector<224x224xf32>
    %sub3A_200 = arith.constant 1.000000e+00 : f32
    %sub3A_201 = vector.broadcast %sub3A_200 : f32 to vector<224x224xf32>
    %sub3A_202 = arith.subf %sub3A_201, %sub3A_199 : vector<224x224xf32>
    %convert_element_type3A_203 = arith.fptosi %floor3A : vector<224x224xf32> to vector<224x224xi32>
    %convert_element_type3A_204 = arith.fptosi %floor3A_194 : vector<224x224xf32> to vector<224x224xi32>
    %add3A_205 = arith.constant 1 : i32
    %add3A_206 = vector.broadcast %add3A_205 : i32 to vector<224x224xi32>
    %add3A_207 = arith.addi %convert_element_type3A_203, %add3A_206 : vector<224x224xi32>
    %add3A_208 = arith.constant 1 : i32
    %add3A_209 = vector.broadcast %add3A_208 : i32 to vector<224x224xi32>
    %add3A_210 = arith.addi %convert_element_type3A_204, %add3A_209 : vector<224x224xi32>
    %ge3A = arith.constant 0 : i32
    %ge3A_211 = vector.broadcast %ge3A : i32 to vector<224x224xi32>
    %ge3A_212 = arith.cmpi sge, %convert_element_type3A_203, %ge3A_211 : vector<224x224xi32>
    %lt3A = arith.constant 224 : i32
    %lt3A_213 = vector.broadcast %lt3A : i32 to vector<224x224xi32>
    %lt3A_214 = arith.cmpi slt, %convert_element_type3A_203, %lt3A_213 : vector<224x224xi32>
    %and3A_215 = arith.andi %ge3A_212, %lt3A_214 : vector<224x224xi1>
    %jit3A = arith.constant 0.000000e+00 : f32
    %broadcast_in_dim3A_216 = vector.broadcast %jit3A : f32 to vector<224x224xf32>
    %select_n3A = arith.select %and3A_215, %sub3A_198, %broadcast_in_dim3A_216 : vector<224x224xi1>, vector<224x224xf32>
    %ge3A_217 = arith.constant 0 : i32
    %ge3A_218 = vector.broadcast %ge3A_217 : i32 to vector<224x224xi32>
    %ge3A_219 = arith.cmpi sge, %add3A_207, %ge3A_218 : vector<224x224xi32>
    %lt3A_220 = arith.constant 224 : i32
    %lt3A_221 = vector.broadcast %lt3A_220 : i32 to vector<224x224xi32>
    %lt3A_222 = arith.cmpi slt, %add3A_207, %lt3A_221 : vector<224x224xi32>
    %and3A_223 = arith.andi %ge3A_219, %lt3A_222 : vector<224x224xi1>
    %jit3A_224 = arith.constant 0.000000e+00 : f32
    %broadcast_in_dim3A_225 = vector.broadcast %jit3A_224 : f32 to vector<224x224xf32>
    %select_n3A_226 = arith.select %and3A_223, %sub3A_195, %broadcast_in_dim3A_225 : vector<224x224xi1>, vector<224x224xf32>
    %ge3A_227 = arith.constant 0 : i32
    %ge3A_228 = vector.broadcast %ge3A_227 : i32 to vector<224x224xi32>
    %ge3A_229 = arith.cmpi sge, %convert_element_type3A_204, %ge3A_228 : vector<224x224xi32>
    %lt3A_230 = arith.constant 224 : i32
    %lt3A_231 = vector.broadcast %lt3A_230 : i32 to vector<224x224xi32>
    %lt3A_232 = arith.cmpi slt, %convert_element_type3A_204, %lt3A_231 : vector<224x224xi32>
    %and3A_233 = arith.andi %ge3A_229, %lt3A_232 : vector<224x224xi1>
    %jit3A_234 = arith.constant 0.000000e+00 : f32
    %broadcast_in_dim3A_235 = vector.broadcast %jit3A_234 : f32 to vector<224x224xf32>
    %select_n3A_236 = arith.select %and3A_233, %sub3A_202, %broadcast_in_dim3A_235 : vector<224x224xi1>, vector<224x224xf32>
    %ge3A_237 = arith.constant 0 : i32
    %ge3A_238 = vector.broadcast %ge3A_237 : i32 to vector<224x224xi32>
    %ge3A_239 = arith.cmpi sge, %add3A_210, %ge3A_238 : vector<224x224xi32>
    %lt3A_240 = arith.constant 224 : i32
    %lt3A_241 = vector.broadcast %lt3A_240 : i32 to vector<224x224xi32>
    %lt3A_242 = arith.cmpi slt, %add3A_210, %lt3A_241 : vector<224x224xi32>
    %and3A_243 = arith.andi %ge3A_239, %lt3A_242 : vector<224x224xi1>
    %jit3A_244 = arith.constant 0.000000e+00 : f32
    %broadcast_in_dim3A_245 = vector.broadcast %jit3A_244 : f32 to vector<224x224xf32>
    %select_n3A_246 = arith.select %and3A_243, %sub3A_199, %broadcast_in_dim3A_245 : vector<224x224xi1>, vector<224x224xf32>
    %jit3A_247 = arith.constant 0 : i32
    %jit3A_248 = arith.constant 223 : i32
    %max3A = vector.broadcast %jit3A_247 : i32 to vector<224x224xi32>
    %max3A_249 = arith.maxsi %max3A, %convert_element_type3A_203 : vector<224x224xi32>
    %min3A = vector.broadcast %jit3A_248 : i32 to vector<224x224xi32>
    %min3A_250 = arith.minsi %min3A, %max3A_249 : vector<224x224xi32>
    %swap3A = arith.constant 0 : index
    %swap3A_251 = arith.constant 0 : index
    %swap3A_252 = arith.constant 0 : index
    %swap3A_253 = vector.load %arg4[%swap3A, %swap3A_251, %swap3A_252] : memref<1x224x224xi32, #tpu.memory_space<vmem>>, vector<1x224x224xi32>
    %swap3A_254 = vector.shape_cast %swap3A_253 : vector<1x224x224xi32> to vector<224x224xi32>
    %swap3A_255 = vector.shape_cast %min3A_250 : vector<224x224xi32> to vector<1x224x224xi32>
    tpu.vector_store %arg4[%swap3A, %swap3A_251, %swap3A_252], %swap3A_255 {strides = array<i32>} : memref<1x224x224xi32, #tpu.memory_space<vmem>>, vector<1x224x224xi32>,
    %jit3A_256 = arith.constant 0 : i32
    %jit3A_257 = arith.constant 223 : i32
    %max3A_258 = vector.broadcast %jit3A_256 : i32 to vector<224x224xi32>
    %max3A_259 = arith.maxsi %max3A_258, %add3A_207 : vector<224x224xi32>
    %min3A_260 = vector.broadcast %jit3A_257 : i32 to vector<224x224xi32>
    %min3A_261 = arith.minsi %min3A_260, %max3A_259 : vector<224x224xi32>
    %swap3A_262 = arith.constant 0 : index
    %swap3A_263 = arith.constant 0 : index
    %swap3A_264 = arith.constant 0 : index
    %swap3A_265 = vector.load %arg5[%swap3A_262, %swap3A_263, %swap3A_264] : memref<1x224x224xi32, #tpu.memory_space<vmem>>, vector<1x224x224xi32>
    %swap3A_266 = vector.shape_cast %swap3A_265 : vector<1x224x224xi32> to vector<224x224xi32>
    %swap3A_267 = vector.shape_cast %min3A_261 : vector<224x224xi32> to vector<1x224x224xi32>
    tpu.vector_store %arg5[%swap3A_262, %swap3A_263, %swap3A_264], %swap3A_267 {strides = array<i32>} : memref<1x224x224xi32, #tpu.memory_space<vmem>>, vector<1x224x224xi32>,
    %jit3A_268 = arith.constant 0 : i32
    %jit3A_269 = arith.constant 223 : i32
    %max3A_270 = vector.broadcast %jit3A_268 : i32 to vector<224x224xi32>
    %max3A_271 = arith.maxsi %max3A_270, %convert_element_type3A_204 : vector<224x224xi32>
    %min3A_272 = vector.broadcast %jit3A_269 : i32 to vector<224x224xi32>
    %min3A_273 = arith.minsi %min3A_272, %max3A_271 : vector<224x224xi32>
    %swap3A_274 = arith.constant 0 : index
    %swap3A_275 = arith.constant 0 : index
    %swap3A_276 = arith.constant 0 : index
    %swap3A_277 = vector.load %arg2[%swap3A_274, %swap3A_275, %swap3A_276] : memref<1x224x224xi32, #tpu.memory_space<vmem>>, vector<1x224x224xi32>
    %swap3A_278 = vector.shape_cast %swap3A_277 : vector<1x224x224xi32> to vector<224x224xi32>
    %swap3A_279 = vector.shape_cast %min3A_273 : vector<224x224xi32> to vector<1x224x224xi32>
    tpu.vector_store %arg2[%swap3A_274, %swap3A_275, %swap3A_276], %swap3A_279 {strides = array<i32>} : memref<1x224x224xi32, #tpu.memory_space<vmem>>, vector<1x224x224xi32>,
    %jit3A_280 = arith.constant 0 : i32
    %jit3A_281 = arith.constant 223 : i32
    %max3A_282 = vector.broadcast %jit3A_280 : i32 to vector<224x224xi32>
    %max3A_283 = arith.maxsi %max3A_282, %add3A_210 : vector<224x224xi32>
    %min3A_284 = vector.broadcast %jit3A_281 : i32 to vector<224x224xi32>
    %min3A_285 = arith.minsi %min3A_284, %max3A_283 : vector<224x224xi32>
    %swap3A_286 = arith.constant 0 : index
    %swap3A_287 = arith.constant 0 : index
    %swap3A_288 = arith.constant 0 : index
    %swap3A_289 = vector.load %arg3[%swap3A_286, %swap3A_287, %swap3A_288] : memref<1x224x224xi32, #tpu.memory_space<vmem>>, vector<1x224x224xi32>
    %swap3A_290 = vector.shape_cast %swap3A_289 : vector<1x224x224xi32> to vector<224x224xi32>
    %swap3A_291 = vector.shape_cast %min3A_285 : vector<224x224xi32> to vector<1x224x224xi32>
    tpu.vector_store %arg3[%swap3A_286, %swap3A_287, %swap3A_288], %swap3A_291 {strides = array<i32>} : memref<1x224x224xi32, #tpu.memory_space<vmem>>, vector<1x224x224xi32>,
    %mul3A_292 = arith.mulf %select_n3A_236, %select_n3A : vector<224x224xf32>
    %swap3A_293 = arith.constant 0 : index
    %swap3A_294 = arith.constant 0 : index
    %swap3A_295 = arith.constant 0 : index
    %swap3A_296 = vector.load %arg6[%swap3A_293, %swap3A_294, %swap3A_295] : memref<1x224x224xf32, #tpu.memory_space<vmem>>, vector<1x224x224xf32>
    %swap3A_297 = vector.shape_cast %swap3A_296 : vector<1x224x224xf32> to vector<224x224xf32>
    %swap3A_298 = vector.shape_cast %mul3A_292 : vector<224x224xf32> to vector<1x224x224xf32>
    tpu.vector_store %arg6[%swap3A_293, %swap3A_294, %swap3A_295], %swap3A_298 {strides = array<i32>} : memref<1x224x224xf32, #tpu.memory_space<vmem>>, vector<1x224x224xf32>,
    %mul3A_299 = arith.mulf %select_n3A_236, %select_n3A_226 : vector<224x224xf32>
    %swap3A_300 = arith.constant 0 : index
    %swap3A_301 = arith.constant 0 : index
    %swap3A_302 = arith.constant 0 : index
    %swap3A_303 = vector.load %arg7[%swap3A_300, %swap3A_301, %swap3A_302] : memref<1x224x224xf32, #tpu.memory_space<vmem>>, vector<1x224x224xf32>
    %swap3A_304 = vector.shape_cast %swap3A_303 : vector<1x224x224xf32> to vector<224x224xf32>
    %swap3A_305 = vector.shape_cast %mul3A_299 : vector<224x224xf32> to vector<1x224x224xf32>
    tpu.vector_store %arg7[%swap3A_300, %swap3A_301, %swap3A_302], %swap3A_305 {strides = array<i32>} : memref<1x224x224xf32, #tpu.memory_space<vmem>>, vector<1x224x224xf32>,
    %mul3A_306 = arith.mulf %select_n3A_246, %select_n3A : vector<224x224xf32>
    %swap3A_307 = arith.constant 0 : index
    %swap3A_308 = arith.constant 0 : index
    %swap3A_309 = arith.constant 0 : index
    %swap3A_310 = vector.load %arg8[%swap3A_307, %swap3A_308, %swap3A_309] : memref<1x224x224xf32, #tpu.memory_space<vmem>>, vector<1x224x224xf32>
    %swap3A_311 = vector.shape_cast %swap3A_310 : vector<1x224x224xf32> to vector<224x224xf32>
    %swap3A_312 = vector.shape_cast %mul3A_306 : vector<224x224xf32> to vector<1x224x224xf32>
    tpu.vector_store %arg8[%swap3A_307, %swap3A_308, %swap3A_309], %swap3A_312 {strides = array<i32>} : memref<1x224x224xf32, #tpu.memory_space<vmem>>, vector<1x224x224xf32>,
    %mul3A_313 = arith.mulf %select_n3A_246, %select_n3A_226 : vector<224x224xf32>
    %swap3A_314 = arith.constant 0 : index
    %swap3A_315 = arith.constant 0 : index
    %swap3A_316 = arith.constant 0 : index
    %swap3A_317 = vector.load %arg9[%swap3A_314, %swap3A_315, %swap3A_316] : memref<1x224x224xf32, #tpu.memory_space<vmem>>, vector<1x224x224xf32>
    %swap3A_318 = vector.shape_cast %swap3A_317 : vector<1x224x224xf32> to vector<224x224xf32>
    %swap3A_319 = vector.shape_cast %mul3A_313 : vector<224x224xf32> to vector<1x224x224xf32>
    tpu.vector_store %arg9[%swap3A_314, %swap3A_315, %swap3A_316], %swap3A_319 {strides = array<i32>} : memref<1x224x224xf32, #tpu.memory_space<vmem>>, vector<1x224x224xf32>,
    return
  }
  func.func @transform_0(%arg0: i32) -> (i32, i32, i32) {
    %c0_i32 = arith.constant 0 : i32
    %c0_i32_0 = arith.constant 0 : i32
    %c0_i32_1 = arith.constant 0 : i32
    return %arg0, %c0_i32, %c0_i32_0 : i32, i32, i32
  }
  func.func @transform_1(%arg0: i32) -> (i32, i32, i32) {
    %c0_i32 = arith.constant 0 : i32
    %c0_i32_0 = arith.constant 0 : i32
    %c0_i32_1 = arith.constant 0 : i32
    return %arg0, %c0_i32, %c0_i32_0 : i32, i32, i32
  }
  func.func @transform_2(%arg0: i32) -> (i32, i32, i32) {
    %c0_i32 = arith.constant 0 : i32
    %c0_i32_0 = arith.constant 0 : i32
    %c0_i32_1 = arith.constant 0 : i32
    return %arg0, %c0_i32, %c0_i32_0 : i32, i32, i32
  }
  func.func @transform_3(%arg0: i32) -> (i32, i32, i32) {
    %c0_i32 = arith.constant 0 : i32
    %c0_i32_0 = arith.constant 0 : i32
    %c0_i32_1 = arith.constant 0 : i32
    return %arg0, %c0_i32, %c0_i32_0 : i32, i32, i32
  }
  func.func @transform_4(%arg0: i32) -> (i32, i32, i32) {
    %c0_i32 = arith.constant 0 : i32
    %c0_i32_0 = arith.constant 0 : i32
    %c0_i32_1 = arith.constant 0 : i32
    return %arg0, %c0_i32, %c0_i32_0 : i32, i32, i32
  }
  func.func @transform_5(%arg0: i32) -> (i32, i32, i32) {
    %c0_i32 = arith.constant 0 : i32
    %c0_i32_0 = arith.constant 0 : i32
    %c0_i32_1 = arith.constant 0 : i32
    return %arg0, %c0_i32, %c0_i32_0 : i32, i32, i32
  }
  func.func @transform_6(%arg0: i32) -> (i32, i32, i32) {
    %c0_i32 = arith.constant 0 : i32
    %c0_i32_0 = arith.constant 0 : i32
    %c0_i32_1 = arith.constant 0 : i32
    return %arg0, %c0_i32, %c0_i32_0 : i32, i32, i32
  }
  func.func @transform_7(%arg0: i32) -> (i32, i32, i32) {
    %c0_i32 = arith.constant 0 : i32
    %c0_i32_0 = arith.constant 0 : i32
    %c0_i32_1 = arith.constant 0 : i32
    return %arg0, %c0_i32, %c0_i32_0 : i32, i32, i32
  }
  func.func @transform_8(%arg0: i32) -> (i32, i32, i32) {
    %c0_i32 = arith.constant 0 : i32
    %c0_i32_0 = arith.constant 0 : i32
    %c0_i32_1 = arith.constant 0 : i32
    return %arg0, %c0_i32, %c0_i32_0 : i32, i32, i32
  }
}

</mosaic_0001>

<sc_bundles>
// kernel: kernel.4.cloned.1.call-start
scs
__scs_entry_jumppad:
0x0: {  	(pc) =	sbr.rel $0x88, $3  }
0x1: {  	(tag) =	ssettag $0x0;
	lr =	simm.s32 $0x1  }
0x2: {  	[smem:$0x3F9F] =	sst lr;
	_ =	strace $0xD0000000  }
0x3: {  	_ = 	snop  }
0x4: {  	_ = 	snop  }
0x5: {  	_ = 	snop  }
0x6: {  	_ = 	snop  }
0x7: {  	_ = 	snop  }
__scs_overlays_trampoline_lowered:
0x8: {  	[smem:$0x3FAE] =	sst s0  }
0x9: {  	[smem:$0x3FAF] =	sst s1  }
0xa: {  	[smem:$0x3FB0] =	sst s2  }
0xb: {  	[smem:$0x3FB1] =	sst s3  }
0xc: {  	[smem:$0x3FB2] =	sst s4  }
0xd: {  	[smem:$0x3FB3] =	sst s5  }
0xe: {  	[smem:$0x3FB4] =	sst s6  }
0xf: {  	[smem:$0x3FB5] =	sst s7  }
0x10: {  	[smem:$0x3FB6] =	sst s8  }
0x11: {  	[smem:$0x3FB7] =	sst s9;
	s0 =	simm.s32 @!p0 $0x0  }
0x12: {  	s1 =	sld [smem:$0x3F9D];
	s0 =	simm.s32 @p0 $0x1  }
0x13: {  	[smem:$0x3FB8] =	sst s0;
	s0 =	simm.s32 @!p1 $0x0  }
0x14: {  	s2 =	sld [smem:$0x3F9C];
	s0 =	simm.s32 @p1 $0x1  }
0x15: {  	[smem:$0x3FB9] =	sst s0;
	s0 =	simm.s32 @!p2 $0x0  }
0x16: {  	s3 =	sld [smem:$0x3FDB];
	s0 =	simm.s32 @p2 $0x1  }
0x17: {  	s4 =	simm.s32 $0x1BF5;
	[smem:$0x3FBB] =	sst s0  }
0x18: {  	s0 =	sld [smem:$0x3F9E];
	_ =	swait.ge [sflag:s4], $0x0  }
0x19: {  	s7 =	sld [smem:$0x3F9F]  }
0x1a: {  	s8 =	sadd.s32 $0xFFFFE003, lr  }
0x1b: {  	s9 =	sadd.s32 $0xFFFFFEF7, lr;
	s5 =	simm.s32 $0xFFFFFFFF;
	p2 =	slt.u32 s8, $0xFFFFF086  }
0x1c: {  	p1 =	slt.u32 s9, $0xF7A;
	s5 =	simm.s32 @!p2 $0x0  }
0x1d: {  	s5 =	simm.s32 @p1 $0x1;
	p0 =	seq.s32 s7, s2  }
0x1e: {  	s7 =	smul.u32 @!p0 $0xF7A, s2;
	p2 =	seq.s32 @!p0 s5, $0x0  }
0x1f: {  	s9 =	smul.u32 $0xF7A, s1;
	s8 =	simm.s32 @!p0 $0x1BF5;
	p2 =	por !p2, p0  }
0x20: {  	[sflag:s8] =	ssyncset.s32 @!p0 $0xFFFFF086;
	s6 =	sadd.s32 @!p0 s3, s7;
	s7 =	simm.s32 @!p0 $0x108  }
0x21: {  	s3 =	sadd.s32 s3, s9;
	s6 =	sadd.s32 @!p0 $0x88, s6;
	s7 =	simm.s32 @p2 $0x1082  }
0x22: {  	[simem:s7], [sflag:s8] =	dma.local @!p0 [hbm:s6], $0xF7A  }
0x23: {  	s9 =	sor.u32 $0xD0000000, s2;
	s6 =	simm.s32 $0x108;
	_ =	swait.ge @!p0 [sflag:s8], $0x0  }
0x24: {  	s3 =	sadd.s32 $0x88, s3;
	s6 =	simm.s32 @!p1 $0x1082;
	[sflag:s4] =	ssyncset.s32 $0xFFFFF086  }
0x25: {  	[simem:s6], [sflag:s4] =	dma.local [hbm:s3], $0xF7A  }
0x26: {  	[smem:$0x3F9F] =	sst s1;
	(tag) =	ssettag s2;
	_ =	strace s9  }
0x27: {  	s1 =	sld [smem:$0x3FAF]  }
0x28: {  	s2 =	sld [smem:$0x3FB0]  }
0x29: {  	s4 =	sld [smem:$0x3FB2]  }
0x2a: {  	p0 =	seq.s32 s5, $0x0;
	s5 =	sld [smem:$0x3FB3]  }
0x2b: {  	s6 =	sld [smem:$0x3FB4]  }
0x2c: {  	s7 =	sld [smem:$0x3FB5]  }
0x2d: {  	s3 =	simm.s32 $0x108;
	s8 =	sld [smem:$0x3FB6]  }
0x2e: {  	s3 =	simm.s32 @!p0 $0x1082;
	s9 =	sld [smem:$0x3FB7]  }
0x2f: {  	lr =	sadd.s32 s0, s3;
	s0 =	sld [smem:$0x3FAE]  }
0x30: {  	s3 =	sld [smem:$0x3FB1]  }
0x31: {  	[smem:$0x3FBA] =	sst s10  }
0x32: {  	s10 =	sld [smem:$0x3FB8];
	_ =	sdelay $0x3  }
0x33: {  	p0 =	seq.s32 s10, $0x1;
	s10 =	sld [smem:$0x3FBA];
	_ =	sdelay $0x3  }
0x34: {  	[smem:$0x3FBA] =	sst s10  }
0x35: {  	s10 =	sld [smem:$0x3FB9];
	_ =	sdelay $0x3  }
0x36: {  	p1 =	seq.s32 s10, $0x1;
	s10 =	sld [smem:$0x3FBA];
	_ =	sdelay $0x3  }
0x37: {  	[smem:$0x3FBA] =	sst s10  }
0x38: {  	s10 =	sld [smem:$0x3FBB]  }
0x39: {  	_ = 	snop;
	(pc) =	sbr.ind lr, $3  }
0x3a: {  	_ = 	snop  }
0x3b: {  	_ = 	snop  }
0x3c: {  	p2 =	seq.s32 s10, $0x1;
	s10 =	sld [smem:$0x3FBA]  }
0x3d: {  	_ =	shalt  }
0x3e: {  	_ =	shalt  }
0x3f: {  	_ =	shalt  }
0x40: {  	_ =	shalt  }
0x41: {  	_ =	shalt  }
0x42: {  	_ =	shalt  }
0x43: {  	_ =	shalt  }
0x44: {  	_ =	shalt  }
0x45: {  	_ =	shalt  }
0x46: {  	_ =	shalt  }
0x47: {  	_ =	shalt  }
0x48: {  	_ =	shalt  }
0x49: {  	_ =	shalt  }
0x4a: {  	_ =	shalt  }
0x4b: {  	_ =	shalt  }
0x4c: {  	_ =	shalt  }
0x4d: {  	_ =	shalt  }
0x4e: {  	_ =	shalt  }
0x4f: {  	_ =	shalt  }
0x50: {  	_ =	shalt  }
0x51: {  	_ =	shalt  }
0x52: {  	_ =	shalt  }
0x53: {  	_ =	shalt  }
0x54: {  	_ =	shalt  }
0x55: {  	_ =	shalt  }
0x56: {  	_ =	shalt  }
0x57: {  	_ =	shalt  }
0x58: {  	_ =	shalt  }
0x59: {  	_ =	shalt  }
0x5a: {  	_ =	shalt  }
0x5b: {  	_ =	shalt  }
0x5c: {  	_ =	shalt  }
0x5d: {  	_ =	shalt  }
0x5e: {  	_ =	shalt  }
0x5f: {  	_ =	shalt  }
0x60: {  	_ =	shalt  }
0x61: {  	_ =	shalt  }
0x62: {  	_ =	shalt  }
0x63: {  	_ =	shalt  }
0x64: {  	_ =	shalt  }
0x65: {  	_ =	shalt  }
0x66: {  	_ =	shalt  }
0x67: {  	_ =	shalt  }
0x68: {  	_ =	shalt  }
0x69: {  	_ =	shalt  }
0x6a: {  	_ =	shalt  }
0x6b: {  	_ =	shalt  }
0x6c: {  	_ =	shalt  }
0x6d: {  	_ =	shalt  }
0x6e: {  	_ =	shalt  }
0x6f: {  	_ =	shalt  }
0x70: {  	_ =	shalt  }
0x71: {  	_ =	shalt  }
0x72: {  	_ =	shalt  }
0x73: {  	_ =	shalt  }
0x74: {  	_ =	shalt  }
0x75: {  	_ =	shalt  }
0x76: {  	_ =	shalt  }
0x77: {  	_ =	shalt  }
0x78: {  	_ =	shalt  }
0x79: {  	_ =	shalt  }
0x7a: {  	_ =	shalt  }
0x7b: {  	_ =	shalt  }
0x7c: {  	_ =	shalt  }
0x7d: {  	_ =	shalt  }
0x7e: {  	_ =	shalt  }
0x7f: {  	_ =	shalt  }
0x80: {  	_ =	shalt  }
0x81: {  	_ =	shalt  }
0x82: {  	_ =	shalt  }
0x83: {  	_ =	shalt  }
0x84: {  	_ =	shalt  }
0x85: {  	_ =	shalt  }
0x86: {  	_ =	shalt  }
0x87: {  	_ =	shalt  }
.Lfunc_end0:
.L_simem_size_0:
called_computation_lowered:
.L_overlay_start_0:
0x88: {  	s2 =	sld [smem:$0x3FD9]  }
0x89: {  	s3 =	sld [smem:$0x3FFE];
	_ =	sdelay $0x1  }
0x8a: {  	s1 =	srdreg.scid  }
0x8b: {  	s0 =	sand.u32 $0x1, s1  }
0x8c: {  	s17 =	sshll.u32 s0, $0xA;
	s2 =	sadd.s32 s3, s2  }
0x8d: {  	s2 =	sadd.s32 s2, s17  }
0x8e: {  	[smem:$0x3FC6] =	sst s2  }
0x8f: {  	_ = 	snop  }
0x90: {  	s2 =	sld [smem:$0x3FD0];
	(tm) =	ssettm $0x1  }
0x91: {  	s18 =	sld [smem:$0x3FFB];
	_ =	sdelay $0x3  }
0x92: {  	_ =	strace s18  }
0x93: {  	s3 =	sld [smem:$0x3FFC];
	_ =	sdelay $0x3  }
0x94: {  	_ =	strace s3  }
0x95: {  	s3 =	sld [smem:$0x3FFD];
	_ =	sdelay $0x3  }
0x96: {  	_ =	strace s3  }
0x97: {  	_ =	strace $0x8FFFFFFF  }
0x98: {  	s19 =	sld [smem:$0x3FDB];
	_ =	sdelay $0x1  }
0x99: {  	s4 =	simm.s32 $_scs_section_size  }
0x9a: {  	s5 =	simm.s32 $_size__tile_overlayer_lowered;
	s6 =	simm.s32 $_tile_overlayer_lowered  }
0x9b: {  	s22 =	simm.s32 $0x1BFF;
	s21 =	sshll.u32 s6, $0x1;
	s3 =	sadd.s32 s4, s19  }
0x9c: {  	s7 =	simm.s32 $0x0;
	s20 =	sshll.u32 s5, $0x1;
	s5 =	sadd.s32 s21, s3  }
0x9d: {  	[timem:s7], [sflag:s22] =	dma.local [hbm:s5], s20  }
0x9e: {  	_ =	swait.ge [sflag:s22], s20  }
0x9f: {  	s4 =	ssub.s32 $0x0, s20;
	[sflag:s22] =	ssyncset.done $0x0  }
0xa0: {  	[sflag:s22] =	ssyncadd.s32 s4;
	_ =	sdelay $0x1  }
0xa1: {  	s23 =	simm.s32 $0x1B8B  }
0xa2: {  	_ =	swait.ge [sflag:s23], $0x1  }
0xa3: {  	[sflag:s23] =	ssyncset.done $0x0  }
0xa4: {  	s25 =	simm.s32 $0x1B8E;
	s24 =	sld [smem:$0x3FFE];
	[sflag:s23] =	ssyncadd.s32 $0xFFFFFFFF  }
0xa5: {  	s26 =	simm.s32 $execute0_lowered;
	[smem:$0x3FD2] =	sst s25  }
0xa6: {  	s5 =	sshll.u32 s26, $0x1;
	_ =	strace $0x80000046;
	[dreg:$0x1] =	wrdreg $0xFFFFFFFF  }
0xa7: {  	s28 =	simm.s32 $_size_execute0_lowered;
	s3 =	sadd.s32 s3, s5;
	[dreg:$0x0] =	wrdreg $0x0  }
0xa8: {  	s5 =	sshll.u32 s28, $0x1;
	[dreg:$0x2] =	wrdreg s3  }
0xa9: {  	[dreg:$0x3] =	wrdreg s5  }
0xaa: {  	[dreg:$0x4] =	wrdreg $0xC0  }
0xab: {  	_ =	task [dreg:s7], $0x5FFFF  }
0xac: {  	[dreg:$0x1] =	wrdreg $0xFFFFFFFF  }
0xad: {  	[dreg:$0x0] =	wrdreg $0x60  }
0xae: {  	[dreg:$0x2] =	wrdreg s2  }
0xaf: {  	[dreg:$0x3] =	wrdreg s24  }
0xb0: {  	[dreg:$0x4] =	wrdreg $0x9  }
0xb1: {  	_ =	task.clear_ibuf [dreg:s7], $0x5FFFF;
	_ =	strace $0x90000046  }
0xb2: {  	s29 =	simm.s32 $0x9;
	_ =	strace $0x80000048  }
0xb3: {  	_ =	swait.ge [sflag:s29], $0x1  }
0xb4: {  	[sflag:s29] =	ssyncadd.s32 $0xFFFFFFFF  }
0xb5: {  	_ =	strace $0x90000048  }
0xb6: {  	_ =	sfence  }
0xb7: {  	s30 =	sld [smem:$0x0];
	_ =	sdelay $0x2  }
0xb8: {  	s31 =	sshll.u32 s1, $0xD;
	s1 =	sshrl.u32 s1, $0x2  }
0xb9: {  	s3 =	sand.u32 $0x4000, s31;
	s1 =	sadd.s32 s1, s30  }
0xba: {  	s0 =	sor.u32 s3, s0;
	s1 =	sshll.u32 s1, $0x11  }
0xbb: {  	s0 =	sor.u32 s1, s0  }
0xbc: {  	s0 =	sadd.s32 $0x8F2B, s0  }
0xbd: {  	[sflag:s0] =	ssyncadd.remote.s32 $0x1  }
0xbe: {  	_ =	sfence.sel $0xFFFF  }
0xbf: {  	[dreg:$0x0] =	wrdreg $0xFFFFFFFF;
	(pc) =	sbr.abs _section_cstart, $3  }
0xc0: {  	[dreg:$0x1] =	wrdreg $0xFFFFFFFF  }
0xc1: {  	_ =	task.clear_ibuf [dreg:s7], $0x2FFFF;
	_ =	strace $0x9FFFFFFF  }
0xc2: {  	(tm) =	ssettm $0x7FFFFFFF  }
0xc3: {  	_ =	shalt  }
tec
execute0_lowered:
.L_overlay_start_1:
0x0: {  	(tag) =	ssettag $0x1  }
0x1: {  	s0 =	rddreg [dreg:$0x1];
	s2 =	simm.s32 $0x0;
	s13 =	stileid.u32  }
0x2: {  	s1 =	srdreg.scid;
	s17 =	simm.s32 $0x1;
	s18 =	simm.s32 $0xC400  }
0x3: {  	s19 =	simm.s32 $0xD200;
	s20 =	simm.s32 $0xE000;
	s21 =	simm.s32 $0xEE00  }
0x4: {  	s22 =	simm.s32 $0xFC00;
	s23 =	simm.s32 $0x10A00;
	s24 =	simm.s32 $0x11800  }
0x5: {  	s25 =	simm.s32 $0x12600;
	s26 =	simm.s32 $0x2;
	s28 =	simm.s32 $0x13400  }
0x6: {  	s29 =	simm.s32 $0x3;
	[smem:$0x7FF] =	sst s2;
	s3 =	sadd.s32 $0x600, s0  }
0x7: {  	s5 =	sadd.s32 $0xCA00, s0;
	s6 =	sadd.s32 $0x18E00, s0;
	s7 =	sadd.s32 $0x25200, s0  }
0x8: {  	s8 =	sadd.s32 $0x31600, s0;
	s9 =	sadd.s32 $0x3DA00, s0;
	s4 =	sshll.u32 s13, $0x1  }
0x9: {  	s10 =	sadd.s32 $0x49E00, s0;
	s1 =	sand.u32 $0x1, s1;
	s4 =	sand.u32 $0x2, s4  }
0xa: {  	s11 =	sadd.s32 $0x56200, s0;
	s12 =	ssub.s32 $0x2, s1;
	s1 =	sor.u32 s1, s4  }
0xb: {  	s15 =	sshrl.u32 s13, $0x1;
	s30 =	sshrl.u32 s12, $0x1;
	s1 =	smul.u32 $0x18, s1  }
0xc: {  	s13 =	sadd.s32 $0x62600, s0;
	_ =	strace $0x80000047;
	s31 =	ssub.s32 s12, s30  }
0xd: {  	s14 =	smul.u32 $0x498000, s15;
	s0 =	smax.u32 s31, $0x1;
	[dreg:$0x3] =	wrdreg s1  }
0xe: {  	s15 =	smul.u32 $0xC400, s15;
	[dreg:$0x4] =	wrdreg s0;
	s1 =	simm.s32 $0x0  }
.LBB2_1:
0xf: {  	[dreg:$0x5] =	wrdreg s1;
	s31 =	simm.s32 $0x0  }
.LBB2_2:
0x10: {  	s0 =	rddreg [dreg:$0x3]  }
0x11: {  	s0 =	sadd.s32 s0, s31  }
0x12: {  	s0 =	smul.u32 $0xC400, s0;
	_ =	sdelay $0x1  }
0x13: {  	s0 =	sadd.s32 s14, s0  }
0x14: {  	s4 =	rddreg [dreg:$0x0];
	s1 =	sshrl.u32 s0, $0x3  }
0x15: {  	s1 =	sadd.s32 s4, s1;
	s4 =	simm.s32 $0x0  }
0x16: {  	[tilespmem:s4], [sflag:$0x1] =	stream.linear.gather [hbm4b:s1+s4], $0xC400, $0x38;
	[tilespmem:$0x14200] =	vst v63  }
0x17: {  	_ =	swait.ge [sflag:s17], $0xC400  }
0x18: {  	[sflag:s17] =	ssyncset.done $0x0  }
0x19: {  	s16 =	simm.s32 $0x0;
	[sflag:s17] =	ssyncadd.s32 $0xFFFF3C00  }
.LBB2_3:
0x1a: {  	s30 =	smul.u32 $0xE00, s16;
	_ =	sdelay $0x1  }
0x1b: {  	s1 =	sadd.s32 s15, s30  }
0x1c: {  	s1 =	sshrl.u32 s1, $0x3  }
0x1d: {  	s12 =	sadd.s32 s3, s1  }
0x1e: {  	[tilespmem:s18], [sflag:$0x2] =	stream.linear.gather [hbm4b:s12+s4], $0xE00, $0x38;
	[tilespmem:$0x14200] =	vst v63  }
0x1f: {  	s12 =	sadd.s32 s5, s1  }
0x20: {  	[tilespmem:s19], [sflag:$0x2] =	stream.linear.gather [hbm4b:s12+s4], $0xE00, $0x38;
	[tilespmem:$0x14200] =	vst v63  }
0x21: {  	s12 =	sadd.s32 s6, s1  }
0x22: {  	[tilespmem:s20], [sflag:$0x2] =	stream.linear.gather [hbm4b:s12+s4], $0xE00, $0x38;
	[tilespmem:$0x14200] =	vst v63  }
0x23: {  	s12 =	sadd.s32 s7, s1  }
0x24: {  	[tilespmem:s21], [sflag:$0x2] =	stream.linear.gather [hbm4b:s12+s4], $0xE00, $0x38;
	[tilespmem:$0x14200] =	vst v63  }
0x25: {  	s12 =	sadd.s32 s8, s1  }
0x26: {  	[tilespmem:s22], [sflag:$0x2] =	stream.linear.gather [hbm4b:s12+s4], $0xE00, $0x38;
	[tilespmem:$0x14200] =	vst v63  }
0x27: {  	s12 =	sadd.s32 s9, s1  }
0x28: {  	[tilespmem:s23], [sflag:$0x2] =	stream.linear.gather [hbm4b:s12+s4], $0xE00, $0x38;
	[tilespmem:$0x14200] =	vst v63  }
0x29: {  	s12 =	sadd.s32 s10, s1  }
0x2a: {  	[tilespmem:s24], [sflag:$0x2] =	stream.linear.gather [hbm4b:s12+s4], $0xE00, $0x38;
	[tilespmem:$0x14200] =	vst v63  }
0x2b: {  	s1 =	sadd.s32 s11, s1  }
0x2c: {  	[tilespmem:s25], [sflag:$0x2] =	stream.linear.gather [hbm4b:s1+s4], $0xE00, $0x38;
	[tilespmem:$0x14200] =	vst v63  }
0x2d: {  	_ =	swait.ge [sflag:s26], $0xE00  }
0x2e: {  	[sflag:s26] =	ssyncset.done $0x0  }
0x2f: {  	[sflag:s26] =	ssyncadd.s32 $0xFFFFF200  }
0x30: {  	_ =	swait.ge [sflag:s26], $0xE00  }
0x31: {  	[sflag:s26] =	ssyncset.done $0x0  }
0x32: {  	[sflag:s26] =	ssyncadd.s32 $0xFFFFF200  }
0x33: {  	_ =	swait.ge [sflag:s26], $0xE00  }
0x34: {  	[sflag:s26] =	ssyncset.done $0x0  }
0x35: {  	[sflag:s26] =	ssyncadd.s32 $0xFFFFF200  }
0x36: {  	_ =	swait.ge [sflag:s26], $0xE00  }
0x37: {  	[sflag:s26] =	ssyncset.done $0x0  }
0x38: {  	[sflag:s26] =	ssyncadd.s32 $0xFFFFF200  }
0x39: {  	_ =	swait.ge [sflag:s26], $0xE00  }
0x3a: {  	[sflag:s26] =	ssyncset.done $0x0  }
0x3b: {  	[sflag:s26] =	ssyncadd.s32 $0xFFFFF200  }
0x3c: {  	_ =	swait.ge [sflag:s26], $0xE00  }
0x3d: {  	[sflag:s26] =	ssyncset.done $0x0  }
0x3e: {  	[sflag:s26] =	ssyncadd.s32 $0xFFFFF200  }
0x3f: {  	_ =	swait.ge [sflag:s26], $0xE00  }
0x40: {  	[sflag:s26] =	ssyncset.done $0x0  }
0x41: {  	[sflag:s26] =	ssyncadd.s32 $0xFFFFF200  }
0x42: {  	_ =	swait.ge [sflag:s26], $0xE00  }
0x43: {  	[sflag:s26] =	ssyncset.done $0x0  }
0x44: {  	s1 =	simm.s32 $0x0;
	[sflag:s26] =	ssyncadd.s32 $0xFFFFF200  }
.LBB2_4:
0x45: {  	s12 =	sshra.s32 s1, $0x2  }
0x46: {  	v0 =	vld [tilespmem:s12+$0xC400]  }
0x47: {  	v1 =	vld [tilespmem:s12+$0xD200]  }
0x48: {  	v2 =	vld [tilespmem:s12+$0xE000]  }
0x49: {  	v3 =	vld [tilespmem:s12+$0xEE00];
	_ =	sdelay $0x2  }
0x4a: {  	v0 =	vmul.u32 $0xE0, v0  }
0x4b: {  	v7 =	vld [tilespmem:s12+$0xFC00];
	v4 =	vand.u32 $0xFFFFFFF8, v2;
	v2 =	vand.u32 $0x7, v2  }
0x4c: {  	v8 =	vld [tilespmem:s12+$0x10A00];
	v6 =	vand.u32 $0xFFFFFFF8, v3;
	v1 =	vmul.u32 $0xE0, v1;
	v5 =	vadd.s32 v0, v4  }
0x4d: {  	v22 =	vld [tilespmem:s12+$0x11800];
	v3 =	vand.u32 $0x7, v3;
	v0 =	vadd.s32 v0, v6;
	v5 =	vor.u32 v2, v5  }
0x4e: {  	v23 =	vld [tilespmem:s12+$0x12600];
	v0 =	vor.u32 v3, v0  }
0x4f: {  	v24 =	vld [tilespmem:s12+$0xC410];
	v4 =	vadd.s32 v1, v4  }
0x50: {  	v9 =	vld [tilespmem:s12+$0xD210];
	v1 =	vadd.s32 v1, v6;
	v2 =	vor.u32 v2, v4  }
0x51: {  	v25 =	vld [tilespmem:s12+$0xE010];
	v1 =	vor.u32 v3, v1  }
0x52: {  	v5 =	vld.idx.msk [tilespmem:v5+s2+$0x0], $0xffff  }
0x53: {  	v0 =	vld.idx.msk [tilespmem:v0+s2+$0x0], $0xffff  }
0x54: {  	v26 =	vld [tilespmem:s12+$0xEE10]  }
0x55: {  	v2 =	vld.idx.msk [tilespmem:v2+s2+$0x0], $0xffff  }
0x56: {  	v1 =	vld.idx.msk [tilespmem:v1+s2+$0x0], $0xffff;
	_ =	sdelay $0x1  }
0x57: {  	v27 =	vmul.u32 $0xE0, v24;
	v5 =	vmul.f32 v5, v7;
	v0 =	vmul.f32 v0, v8  }
0x58: {  	v28 =	vand.u32 $0xFFFFFFF8, v25;
	v29 =	vand.u32 $0x7, v25;
	v31 =	vand.u32 $0xFFFFFFF8, v26  }
0x59: {  	v33 =	vld [tilespmem:s12+$0xFC10];
	v32 =	vmul.u32 $0xE0, v9;
	v2 =	vmul.f32 v2, v22;
	v0 =	vadd.f32 v0, v5  }
0x5a: {  	v34 =	vld [tilespmem:s12+$0x10A10];
	v30 =	vadd.s32 v27, v28;
	v1 =	vmul.f32 v1, v23;
	v8 =	vand.u32 $0x7, v26  }
0x5b: {  	v36 =	vld [tilespmem:s12+$0x11810];
	v5 =	vor.u32 v29, v30;
	v0 =	vadd.f32 v2, v0;
	v2 =	vadd.s32 v27, v31  }
0x5c: {  	v37 =	vld [tilespmem:s12+$0x12610];
	v2 =	vor.u32 v8, v2  }
0x5d: {  	v38 =	vld [tilespmem:s12+$0xC420];
	v3 =	vadd.s32 v32, v28;
	v0 =	vadd.f32 v1, v0  }
0x5e: {  	v39 =	vld [tilespmem:s12+$0xD220];
	v35 =	vadd.s32 v32, v31;
	v3 =	vor.u32 v29, v3  }
0x5f: {  	v40 =	vld [tilespmem:s12+$0xE020];
	v4 =	vor.u32 v8, v35;
	[tilespmem:s12+$0x13400] =	vst v0  }
0x60: {  	v5 =	vld.idx.msk [tilespmem:v5+s2+$0x0], $0xffff  }
0x61: {  	v2 =	vld.idx.msk [tilespmem:v2+s2+$0x0], $0xffff  }
0x62: {  	v41 =	vld [tilespmem:s12+$0xEE20]  }
0x63: {  	v3 =	vld.idx.msk [tilespmem:v3+s2+$0x0], $0xffff  }
0x64: {  	v4 =	vld.idx.msk [tilespmem:v4+s2+$0x0], $0xffff;
	_ =	sdelay $0x1  }
0x65: {  	v42 =	vmul.u32 $0xE0, v38;
	v5 =	vmul.f32 v5, v33;
	v1 =	vmul.f32 v2, v34  }
0x66: {  	v43 =	vand.u32 $0xFFFFFFF8, v40;
	v45 =	vand.u32 $0xFFFFFFF8, v41;
	v46 =	vmul.u32 $0xE0, v39  }
0x67: {  	v48 =	vld [tilespmem:s12+$0xFC20];
	v47 =	vand.u32 $0x7, v41;
	v3 =	vmul.f32 v3, v36;
	v1 =	vadd.f32 v1, v5  }
0x68: {  	v49 =	vld [tilespmem:s12+$0x10A20];
	v44 =	vadd.s32 v42, v43;
	v0 =	vmul.f32 v4, v37;
	v2 =	vand.u32 $0x7, v40  }
0x69: {  	v51 =	vld [tilespmem:s12+$0x11820];
	v5 =	vor.u32 v2, v44;
	v1 =	vadd.f32 v3, v1;
	v3 =	vadd.s32 v42, v45  }
0x6a: {  	v52 =	vld [tilespmem:s12+$0x12620];
	v3 =	vor.u32 v47, v3  }
0x6b: {  	v53 =	vld [tilespmem:s12+$0xC430];
	v4 =	vadd.s32 v46, v43;
	v0 =	vadd.f32 v0, v1  }
0x6c: {  	v54 =	vld [tilespmem:s12+$0xD230];
	v50 =	vadd.s32 v46, v45;
	v2 =	vor.u32 v2, v4  }
0x6d: {  	v55 =	vld [tilespmem:s12+$0xE030];
	v4 =	vor.u32 v47, v50;
	[tilespmem:s12+$0x13410] =	vst v0  }
0x6e: {  	v5 =	vld.idx.msk [tilespmem:v5+s2+$0x0], $0xffff  }
0x6f: {  	v3 =	vld.idx.msk [tilespmem:v3+s2+$0x0], $0xffff  }
0x70: {  	v56 =	vld [tilespmem:s12+$0xEE30]  }
0x71: {  	v2 =	vld.idx.msk [tilespmem:v2+s2+$0x0], $0xffff  }
0x72: {  	v4 =	vld.idx.msk [tilespmem:v4+s2+$0x0], $0xffff;
	_ =	sdelay $0x1  }
0x73: {  	v57 =	vmul.u32 $0xE0, v53;
	v5 =	vmul.f32 v5, v48;
	v1 =	vmul.f32 v3, v49  }
0x74: {  	v58 =	vand.u32 $0xFFFFFFF8, v55;
	v60 =	vand.u32 $0xFFFFFFF8, v56;
	v61 =	vmul.u32 $0xE0, v54  }
0x75: {  	v63 =	vld [tilespmem:s12+$0xFC30];
	v62 =	vand.u32 $0x7, v56;
	v2 =	vmul.f32 v2, v51;
	v1 =	vadd.f32 v1, v5  }
0x76: {  	v12 =	vld [tilespmem:s12+$0x10A30];
	v59 =	vadd.s32 v57, v58;
	v0 =	vmul.f32 v4, v52;
	v3 =	vand.u32 $0x7, v55  }
0x77: {  	v14 =	vld [tilespmem:s12+$0x11830];
	v5 =	vor.u32 v3, v59;
	v1 =	vadd.f32 v2, v1;
	v2 =	vadd.s32 v57, v60  }
0x78: {  	v15 =	vld [tilespmem:s12+$0x12630];
	v2 =	vor.u32 v62, v2  }
0x79: {  	v16 =	vld [tilespmem:s12+$0xC440];
	v4 =	vadd.s32 v61, v58;
	v0 =	vadd.f32 v0, v1  }
0x7a: {  	v17 =	vld [tilespmem:s12+$0xD240];
	v13 =	vadd.s32 v61, v60;
	v3 =	vor.u32 v3, v4  }
0x7b: {  	v18 =	vld [tilespmem:s12+$0xE040];
	v4 =	vor.u32 v62, v13;
	[tilespmem:s12+$0x13420] =	vst v0  }
0x7c: {  	v5 =	vld.idx.msk [tilespmem:v5+s2+$0x0], $0xffff  }
0x7d: {  	v2 =	vld.idx.msk [tilespmem:v2+s2+$0x0], $0xffff  }
0x7e: {  	v19 =	vld [tilespmem:s12+$0xEE40]  }
0x7f: {  	v3 =	vld.idx.msk [tilespmem:v3+s2+$0x0], $0xffff  }
0x80: {  	v4 =	vld.idx.msk [tilespmem:v4+s2+$0x0], $0xffff;
	_ =	sdelay $0x1  }
0x81: {  	v20 =	vmul.u32 $0xE0, v16;
	v5 =	vmul.f32 v5, v63;
	v1 =	vmul.f32 v2, v12  }
0x82: {  	v21 =	vand.u32 $0xFFFFFFF8, v18;
	v24 =	vmul.u32 $0xE0, v17;
	v25 =	vand.u32 $0x7, v19  }
0x83: {  	v32 =	vld [tilespmem:s12+$0xD250];
	v22 =	vadd.s32 v20, v21;
	v3 =	vmul.f32 v3, v14;
	v1 =	vadd.f32 v1, v5  }
0x84: {  	v23 =	vand.u32 $0xFFFFFFF8, v19;
	v26 =	vld [tilespmem:s12+$0xFC40];
	v0 =	vmul.f32 v4, v15;
	v2 =	vand.u32 $0x7, v18  }
0x85: {  	v29 =	vld [tilespmem:s12+$0x11840];
	v5 =	vor.u32 v2, v22;
	v1 =	vadd.f32 v3, v1;
	v3 =	vadd.s32 v20, v23  }
0x86: {  	v30 =	vld [tilespmem:s12+$0x12640];
	v3 =	vor.u32 v25, v3  }
0x87: {  	v27 =	vld [tilespmem:s12+$0x10A40];
	v4 =	vadd.s32 v24, v21;
	v0 =	vadd.f32 v0, v1  }
0x88: {  	v28 =	vadd.s32 v24, v23;
	v31 =	vld [tilespmem:s12+$0xC450];
	v2 =	vor.u32 v2, v4  }
0x89: {  	v33 =	vld [tilespmem:s12+$0xE050];
	v4 =	vor.u32 v25, v28;
	[tilespmem:s12+$0x13430] =	vst v0  }
0x8a: {  	v5 =	vld.idx.msk [tilespmem:v5+s2+$0x0], $0xffff  }
0x8b: {  	v3 =	vld.idx.msk [tilespmem:v3+s2+$0x0], $0xffff  }
0x8c: {  	v34 =	vld [tilespmem:s12+$0xEE50]  }
0x8d: {  	v2 =	vld.idx.msk [tilespmem:v2+s2+$0x0], $0xffff  }
0x8e: {  	v4 =	vld.idx.msk [tilespmem:v4+s2+$0x0], $0xffff  }
0x8f: {  	v35 =	vmul.u32 $0xE0, v31  }
0x90: {  	v36 =	vand.u32 $0xFFFFFFF8, v33;
	v5 =	vmul.f32 v5, v26;
	v1 =	vmul.f32 v3, v27  }
0x91: {  	v39 =	vmul.u32 $0xE0, v32;
	v37 =	vadd.s32 v35, v36  }
0x92: {  	v41 =	vld [tilespmem:s12+$0xFC50];
	v38 =	vand.u32 $0xFFFFFFF8, v34;
	v2 =	vmul.f32 v2, v29;
	v1 =	vadd.f32 v1, v5  }
0x93: {  	v46 =	vld [tilespmem:s12+$0xC460];
	v40 =	vand.u32 $0x7, v34;
	v0 =	vmul.f32 v4, v30;
	v3 =	vand.u32 $0x7, v33  }
0x94: {  	v44 =	vld [tilespmem:s12+$0x11850];
	v5 =	vor.u32 v3, v37;
	v1 =	vadd.f32 v2, v1;
	v2 =	vadd.s32 v35, v38  }
0x95: {  	v42 =	vld [tilespmem:s12+$0x10A50];
	v2 =	vor.u32 v40, v2  }
0x96: {  	v45 =	vld [tilespmem:s12+$0x12650];
	v4 =	vadd.s32 v39, v36;
	v0 =	vadd.f32 v0, v1  }
0x97: {  	v47 =	vld [tilespmem:s12+$0xD260];
	v43 =	vadd.s32 v39, v38;
	v3 =	vor.u32 v3, v4  }
0x98: {  	v48 =	vld [tilespmem:s12+$0xE060];
	v4 =	vor.u32 v40, v43;
	[tilespmem:s12+$0x13440] =	vst v0  }
0x99: {  	v5 =	vld.idx.msk [tilespmem:v5+s2+$0x0], $0xffff  }
0x9a: {  	v2 =	vld.idx.msk [tilespmem:v2+s2+$0x0], $0xffff  }
0x9b: {  	v49 =	vld [tilespmem:s12+$0xEE60]  }
0x9c: {  	v3 =	vld.idx.msk [tilespmem:v3+s2+$0x0], $0xffff  }
0x9d: {  	v4 =	vld.idx.msk [tilespmem:v4+s2+$0x0], $0xffff  }
0x9e: {  	v50 =	vmul.u32 $0xE0, v46  }
0x9f: {  	v51 =	vand.u32 $0xFFFFFFF8, v48;
	v5 =	vmul.f32 v5, v41;
	v1 =	vmul.f32 v2, v42  }
0xa0: {  	v54 =	vmul.u32 $0xE0, v47;
	v52 =	vadd.s32 v50, v51  }
0xa1: {  	v56 =	vld [tilespmem:s12+$0xFC60];
	v53 =	vand.u32 $0xFFFFFFF8, v49;
	v3 =	vmul.f32 v3, v44;
	v1 =	vadd.f32 v1, v5  }
0xa2: {  	v61 =	vld [tilespmem:s12+$0xC470];
	v55 =	vand.u32 $0x7, v49;
	v0 =	vmul.f32 v4, v45;
	v2 =	vand.u32 $0x7, v48  }
0xa3: {  	v59 =	vld [tilespmem:s12+$0x11860];
	v5 =	vor.u32 v2, v52;
	v1 =	vadd.f32 v3, v1;
	v3 =	vadd.s32 v50, v53  }
0xa4: {  	v57 =	vld [tilespmem:s12+$0x10A60];
	v3 =	vor.u32 v55, v3  }
0xa5: {  	v60 =	vld [tilespmem:s12+$0x12660];
	v4 =	vadd.s32 v54, v51;
	v0 =	vadd.f32 v0, v1  }
0xa6: {  	v62 =	vld [tilespmem:s12+$0xD270];
	v58 =	vadd.s32 v54, v53;
	v2 =	vor.u32 v2, v4  }
0xa7: {  	v63 =	vld [tilespmem:s12+$0xE070];
	v4 =	vor.u32 v55, v58;
	[tilespmem:s12+$0x13450] =	vst v0  }
0xa8: {  	v5 =	vld.idx.msk [tilespmem:v5+s2+$0x0], $0xffff  }
0xa9: {  	v3 =	vld.idx.msk [tilespmem:v3+s2+$0x0], $0xffff  }
0xaa: {  	v12 =	vld [tilespmem:s12+$0xEE70]  }
0xab: {  	v2 =	vld.idx.msk [tilespmem:v2+s2+$0x0], $0xffff  }
0xac: {  	v4 =	vld.idx.msk [tilespmem:v4+s2+$0x0], $0xffff  }
0xad: {  	v13 =	vmul.u32 $0xE0, v61  }
0xae: {  	v14 =	vand.u32 $0xFFFFFFF8, v63;
	v5 =	vmul.f32 v5, v56;
	v1 =	vmul.f32 v3, v57  }
0xaf: {  	v17 =	vmul.u32 $0xE0, v62;
	v15 =	vadd.s32 v13, v14  }
0xb0: {  	v19 =	vld [tilespmem:s12+$0xFC70];
	v16 =	vand.u32 $0xFFFFFFF8, v12;
	v2 =	vmul.f32 v2, v59;
	v1 =	vadd.f32 v1, v5  }
0xb1: {  	v24 =	vld [tilespmem:s12+$0xC480];
	v18 =	vand.u32 $0x7, v12;
	v0 =	vmul.f32 v4, v60;
	v3 =	vand.u32 $0x7, v63  }
0xb2: {  	v22 =	vld [tilespmem:s12+$0x11870];
	v5 =	vor.u32 v3, v15;
	v1 =	vadd.f32 v2, v1;
	v2 =	vadd.s32 v13, v16  }
0xb3: {  	v20 =	vld [tilespmem:s12+$0x10A70];
	v2 =	vor.u32 v18, v2  }
0xb4: {  	v23 =	vld [tilespmem:s12+$0x12670];
	v4 =	vadd.s32 v17, v14;
	v0 =	vadd.f32 v0, v1  }
0xb5: {  	v25 =	vld [tilespmem:s12+$0xD280];
	v21 =	vadd.s32 v17, v16;
	v3 =	vor.u32 v3, v4  }
0xb6: {  	v26 =	vld [tilespmem:s12+$0xE080];
	v4 =	vor.u32 v18, v21;
	[tilespmem:s12+$0x13460] =	vst v0  }
0xb7: {  	v5 =	vld.idx.msk [tilespmem:v5+s2+$0x0], $0xffff  }
0xb8: {  	v2 =	vld.idx.msk [tilespmem:v2+s2+$0x0], $0xffff  }
0xb9: {  	v27 =	vld [tilespmem:s12+$0xEE80]  }
0xba: {  	v3 =	vld.idx.msk [tilespmem:v3+s2+$0x0], $0xffff  }
0xbb: {  	v4 =	vld.idx.msk [tilespmem:v4+s2+$0x0], $0xffff  }
0xbc: {  	v28 =	vmul.u32 $0xE0, v24  }
0xbd: {  	v29 =	vand.u32 $0xFFFFFFF8, v26;
	v5 =	vmul.f32 v5, v19;
	v1 =	vmul.f32 v2, v20  }
0xbe: {  	v32 =	vmul.u32 $0xE0, v25;
	v30 =	vadd.s32 v28, v29  }
0xbf: {  	v34 =	vld [tilespmem:s12+$0xFC80];
	v31 =	vand.u32 $0xFFFFFFF8, v27;
	v3 =	vmul.f32 v3, v22;
	v1 =	vadd.f32 v1, v5  }
0xc0: {  	v39 =	vld [tilespmem:s12+$0xC490];
	v33 =	vand.u32 $0x7, v27;
	v0 =	vmul.f32 v4, v23;
	v2 =	vand.u32 $0x7, v26  }
0xc1: {  	v37 =	vld [tilespmem:s12+$0x11880];
	v5 =	vor.u32 v2, v30;
	v1 =	vadd.f32 v3, v1;
	v3 =	vadd.s32 v28, v31  }
0xc2: {  	v35 =	vld [tilespmem:s12+$0x10A80];
	v3 =	vor.u32 v33, v3  }
0xc3: {  	v38 =	vld [tilespmem:s12+$0x12680];
	v4 =	vadd.s32 v32, v29;
	v0 =	vadd.f32 v0, v1  }
0xc4: {  	v40 =	vld [tilespmem:s12+$0xD290];
	v36 =	vadd.s32 v32, v31;
	v2 =	vor.u32 v2, v4  }
0xc5: {  	v41 =	vld [tilespmem:s12+$0xE090];
	v4 =	vor.u32 v33, v36;
	[tilespmem:s12+$0x13470] =	vst v0  }
0xc6: {  	v5 =	vld.idx.msk [tilespmem:v5+s2+$0x0], $0xffff  }
0xc7: {  	v3 =	vld.idx.msk [tilespmem:v3+s2+$0x0], $0xffff  }
0xc8: {  	v42 =	vld [tilespmem:s12+$0xEE90]  }
0xc9: {  	v2 =	vld.idx.msk [tilespmem:v2+s2+$0x0], $0xffff  }
0xca: {  	v4 =	vld.idx.msk [tilespmem:v4+s2+$0x0], $0xffff  }
0xcb: {  	v43 =	vmul.u32 $0xE0, v39  }
0xcc: {  	v44 =	vand.u32 $0xFFFFFFF8, v41;
	v5 =	vmul.f32 v5, v34;
	v1 =	vmul.f32 v3, v35  }
0xcd: {  	v47 =	vmul.u32 $0xE0, v40;
	v45 =	vadd.s32 v43, v44  }
0xce: {  	v49 =	vld [tilespmem:s12+$0xFC90];
	v46 =	vand.u32 $0xFFFFFFF8, v42;
	v2 =	vmul.f32 v2, v37;
	v1 =	vadd.f32 v1, v5  }
0xcf: {  	v54 =	vld [tilespmem:s12+$0xC4A0];
	v48 =	vand.u32 $0x7, v42;
	v0 =	vmul.f32 v4, v38;
	v3 =	vand.u32 $0x7, v41  }
0xd0: {  	v52 =	vld [tilespmem:s12+$0x11890];
	v5 =	vor.u32 v3, v45;
	v1 =	vadd.f32 v2, v1;
	v2 =	vadd.s32 v43, v46  }
0xd1: {  	v50 =	vld [tilespmem:s12+$0x10A90];
	v2 =	vor.u32 v48, v2  }
0xd2: {  	v53 =	vld [tilespmem:s12+$0x12690];
	v4 =	vadd.s32 v47, v44;
	v0 =	vadd.f32 v0, v1  }
0xd3: {  	v55 =	vld [tilespmem:s12+$0xD2A0];
	v51 =	vadd.s32 v47, v46;
	v3 =	vor.u32 v3, v4  }
0xd4: {  	v56 =	vld [tilespmem:s12+$0xE0A0];
	v4 =	vor.u32 v48, v51;
	[tilespmem:s12+$0x13480] =	vst v0  }
0xd5: {  	v5 =	vld.idx.msk [tilespmem:v5+s2+$0x0], $0xffff  }
0xd6: {  	v2 =	vld.idx.msk [tilespmem:v2+s2+$0x0], $0xffff  }
0xd7: {  	v57 =	vld [tilespmem:s12+$0xEEA0]  }
0xd8: {  	v3 =	vld.idx.msk [tilespmem:v3+s2+$0x0], $0xffff  }
0xd9: {  	v4 =	vld.idx.msk [tilespmem:v4+s2+$0x0], $0xffff  }
0xda: {  	v58 =	vmul.u32 $0xE0, v54  }
0xdb: {  	v59 =	vand.u32 $0xFFFFFFF8, v56;
	v5 =	vmul.f32 v5, v49;
	v1 =	vmul.f32 v2, v50  }
0xdc: {  	v62 =	vmul.u32 $0xE0, v55;
	v60 =	vadd.s32 v58, v59  }
0xdd: {  	v12 =	vld [tilespmem:s12+$0xFCA0];
	v61 =	vand.u32 $0xFFFFFFF8, v57;
	v3 =	vmul.f32 v3, v52;
	v1 =	vadd.f32 v1, v5  }
0xde: {  	v17 =	vld [tilespmem:s12+$0xC4B0];
	v63 =	vand.u32 $0x7, v57;
	v0 =	vmul.f32 v4, v53;
	v2 =	vand.u32 $0x7, v56  }
0xdf: {  	v15 =	vld [tilespmem:s12+$0x118A0];
	v5 =	vor.u32 v2, v60;
	v1 =	vadd.f32 v3, v1;
	v3 =	vadd.s32 v58, v61  }
0xe0: {  	v13 =	vld [tilespmem:s12+$0x10AA0];
	v3 =	vor.u32 v63, v3  }
0xe1: {  	v16 =	vld [tilespmem:s12+$0x126A0];
	v4 =	vadd.s32 v62, v59;
	v0 =	vadd.f32 v0, v1  }
0xe2: {  	v18 =	vld [tilespmem:s12+$0xD2B0];
	v14 =	vadd.s32 v62, v61;
	v2 =	vor.u32 v2, v4  }
0xe3: {  	v19 =	vld [tilespmem:s12+$0xE0B0];
	v4 =	vor.u32 v63, v14;
	[tilespmem:s12+$0x13490] =	vst v0  }
0xe4: {  	v5 =	vld.idx.msk [tilespmem:v5+s2+$0x0], $0xffff  }
0xe5: {  	v3 =	vld.idx.msk [tilespmem:v3+s2+$0x0], $0xffff  }
0xe6: {  	v20 =	vld [tilespmem:s12+$0xEEB0]  }
0xe7: {  	v2 =	vld.idx.msk [tilespmem:v2+s2+$0x0], $0xffff  }
0xe8: {  	v4 =	vld.idx.msk [tilespmem:v4+s2+$0x0], $0xffff  }
0xe9: {  	v21 =	vmul.u32 $0xE0, v17  }
0xea: {  	v22 =	vand.u32 $0xFFFFFFF8, v19;
	v5 =	vmul.f32 v5, v12;
	v1 =	vmul.f32 v3, v13  }
0xeb: {  	v25 =	vmul.u32 $0xE0, v18;
	v23 =	vadd.s32 v21, v22  }
0xec: {  	v27 =	vld [tilespmem:s12+$0xFCB0];
	v24 =	vand.u32 $0xFFFFFFF8, v20;
	v2 =	vmul.f32 v2, v15;
	v1 =	vadd.f32 v1, v5  }
0xed: {  	v32 =	vld [tilespmem:s12+$0xC4C0];
	v26 =	vand.u32 $0x7, v20;
	v0 =	vmul.f32 v4, v16;
	v3 =	vand.u32 $0x7, v19  }
0xee: {  	v30 =	vld [tilespmem:s12+$0x118B0];
	v5 =	vor.u32 v3, v23;
	v1 =	vadd.f32 v2, v1;
	v2 =	vadd.s32 v21, v24  }
0xef: {  	v28 =	vld [tilespmem:s12+$0x10AB0];
	v2 =	vor.u32 v26, v2  }
0xf0: {  	v31 =	vld [tilespmem:s12+$0x126B0];
	v4 =	vadd.s32 v25, v22;
	v0 =	vadd.f32 v0, v1  }
0xf1: {  	v33 =	vld [tilespmem:s12+$0xD2C0];
	v29 =	vadd.s32 v25, v24;
	v3 =	vor.u32 v3, v4  }
0xf2: {  	v34 =	vld [tilespmem:s12+$0xE0C0];
	v4 =	vor.u32 v26, v29;
	[tilespmem:s12+$0x134A0] =	vst v0  }
0xf3: {  	v5 =	vld.idx.msk [tilespmem:v5+s2+$0x0], $0xffff  }
0xf4: {  	v2 =	vld.idx.msk [tilespmem:v2+s2+$0x0], $0xffff  }
0xf5: {  	v35 =	vld [tilespmem:s12+$0xEEC0]  }
0xf6: {  	v3 =	vld.idx.msk [tilespmem:v3+s2+$0x0], $0xffff  }
0xf7: {  	v4 =	vld.idx.msk [tilespmem:v4+s2+$0x0], $0xffff  }
0xf8: {  	v36 =	vmul.u32 $0xE0, v32  }
0xf9: {  	v37 =	vand.u32 $0xFFFFFFF8, v34;
	v5 =	vmul.f32 v5, v27;
	v1 =	vmul.f32 v2, v28  }
0xfa: {  	v40 =	vmul.u32 $0xE0, v33;
	v38 =	vadd.s32 v36, v37  }
0xfb: {  	v39 =	vand.u32 $0xFFFFFFF8, v35;
	v3 =	vmul.f32 v3, v30;
	v1 =	vadd.f32 v1, v5  }
0xfc: {  	v42 =	vld [tilespmem:s12+$0xFCC0];
	v41 =	vand.u32 $0x7, v35;
	v0 =	vmul.f32 v4, v31;
	v2 =	vand.u32 $0x7, v34  }
0xfd: {  	v44 =	vld [tilespmem:s12+$0x118C0];
	v5 =	vor.u32 v2, v38;
	v1 =	vadd.f32 v3, v1;
	v3 =	vadd.s32 v36, v39  }
0xfe: {  	v47 =	vld [tilespmem:s12+$0xE0D0];
	v3 =	vor.u32 v41, v3  }
0xff: {  	v45 =	vld [tilespmem:s12+$0x126C0];
	v4 =	vadd.s32 v40, v37;
	v0 =	vadd.f32 v0, v1  }
0x100: {  	v43 =	vld [tilespmem:s12+$0x10AC0];
	v2 =	vor.u32 v2, v4  }
0x101: {  	v46 =	vld [tilespmem:s12+$0xC4D0];
	v6 =	vadd.s32 v40, v39;
	[tilespmem:s12+$0x134B0] =	vst v0  }
0x102: {  	v6 =	vor.u32 v41, v6;
	v5 =	vld.idx.msk [tilespmem:v5+s2+$0x0], $0xffff  }
0x103: {  	v3 =	vld.idx.msk [tilespmem:v3+s2+$0x0], $0xffff  }
0x104: {  	v48 =	vld [tilespmem:s12+$0xEED0]  }
0x105: {  	v2 =	vld.idx.msk [tilespmem:v2+s2+$0x0], $0xffff  }
0x106: {  	v49 =	vld [tilespmem:s12+$0xD2D0]  }
0x107: {  	v6 =	vld.idx.msk [tilespmem:v6+s2+$0x0], $0xffff  }
0x108: {  	v50 =	vmul.u32 $0xE0, v46;
	v5 =	vmul.f32 v5, v42;
	v1 =	vmul.f32 v3, v43  }
0x109: {  	v51 =	vand.u32 $0xFFFFFFF8, v47;
	v54 =	vand.u32 $0xFFFFFFF8, v48;
	v52 =	vand.u32 $0x7, v47  }
0x10a: {  	v7 =	vadd.s32 v50, v51;
	v2 =	vmul.f32 v2, v44;
	v1 =	vadd.f32 v1, v5  }
0x10b: {  	v53 =	vor.u32 v52, v7;
	v55 =	vmul.u32 $0xE0, v49;
	v4 =	vadd.s32 v50, v54  }
0x10c: {  	v0 =	vmul.f32 v6, v45;
	v3 =	vand.u32 $0x7, v48;
	v1 =	vadd.f32 v2, v1  }
0x10d: {  	v4 =	vor.u32 v3, v4  }
0x10e: {  	v56 =	vadd.s32 v55, v51;
	v0 =	vadd.f32 v0, v1  }
0x10f: {  	v57 =	vld [tilespmem:s12+$0xFCD0];
	v1 =	vor.u32 v52, v56  }
0x110: {  	v58 =	vld [tilespmem:s12+$0x10AD0];
	v59 =	vadd.s32 v55, v54;
	[tilespmem:s12+$0x134C0] =	vst v0  }
0x111: {  	v2 =	vor.u32 v3, v59;
	v6 =	vld.idx.msk [tilespmem:v53+s2+$0x0], $0xffff  }
0x112: {  	v60 =	vld.idx.msk [tilespmem:v4+s2+$0x0], $0xffff  }
0x113: {  	v61 =	vld [tilespmem:s12+$0x118D0]  }
0x114: {  	v1 =	vld.idx.msk [tilespmem:v1+s2+$0x0], $0xffff  }
0x115: {  	v62 =	vld [tilespmem:s12+$0x126D0]  }
0x116: {  	v2 =	vld.idx.msk [tilespmem:v2+s2+$0x0], $0xffff  }
0x117: {  	v5 =	vmul.f32 v6, v57;
	v0 =	vmul.f32 v60, v58;
	_ =	sdelay $0x1  }
0x118: {  	v0 =	vadd.f32 v0, v5;
	v1 =	vmul.f32 v1, v61  }
0x119: {  	p0 =	sne.s32 s1, $0x3480  }
.Ltmp0:
0x11a: {  	v63 =	vmul.f32 v2, v62;
	v0 =	vadd.f32 v1, v0;
	(pc) =	sbr.rel @p0 .LBB2_4-.Ltmp0, $3  }
0x11b: {  	_ = 	snop  }
0x11c: {  	v0 =	vadd.f32 v63, v0;
	_ =	sdelay $0x1  }
0x11d: {  	s1 =	sadd.s32 $0x380, s1;
	[tilespmem:s12+$0x134D0] =	vst v0  }
0x11e: {  	s1 =	sadd.s32 s0, s30;
	s16 =	sadd.s32 $0x1, s16  }
0x11f: {  	s1 =	sshrl.u32 s1, $0x3;
	p0 =	sne.s32 s16, $0xE  }
.Ltmp1:
0x120: {  	s1 =	sadd.s32 s13, s1;
	(pc) =	sbr.rel @p0 .LBB2_3-.Ltmp1, $4  }
0x121: {  	[hbm4b:s1+s2] =	stream.linear.scatter [tilespmem:s28], [sflag:$0x3], $0xE00, $0x38;
	[tilespmem:$0x14200] =	vst v63  }
0x122: {  	_ =	swait.ge [sflag:s29], $0xE00  }
0x123: {  	[sflag:s29] =	ssyncset.done $0x0  }
0x124: {  	[sflag:s29] =	ssyncadd.s32 $0xFFFFF200  }
0x125: {  	s31 =	sadd.s32 $0x1, s31  }
0x126: {  	p0 =	sne.s32 s31, $0x18  }
.Ltmp2:
0x127: {  	_ = 	snop;
	(pc) =	sbr.rel @p0 .LBB2_2-.Ltmp2, $1  }
0x128: {  	_ =	sdelay $0x3  }
0x129: {  	s1 =	rddreg [dreg:$0x5]  }
0x12a: {  	s0 =	rddreg [dreg:$0x4];
	s1 =	sadd.s32 $0x1, s1  }
0x12b: {  	p0 =	sne.s32 s1, s0  }
.Ltmp3:
0x12c: {  	_ = 	snop;
	(pc) =	sbr.rel @p0 .LBB2_1-.Ltmp3, $1  }
0x12d: {  	_ =	sdelay $0x3  }
0x12e: {  	_ =	sfence.sel $0x180000  }
0x12f: {  	[bflag:$0x0] =	sbarrier.arrive $0xFFFF  }
0x130: {  	_ =	strace $0x90000047  }
0x131: {  	s0 =	stileid.u32;
	[bflag:$0x2] =	sbarrier.arrive $0xFFFF  }
0x132: {  	p0 =	sne.s32 s0, $0x0;
	s0 =	rddreg [dreg:$0x2]  }
0x133: {  	s0 =	sadd.s32 @!p0 $0x100000, s0  }
0x134: {  	[sflag:s0] =	ssyncadd.tile.s32 @!p0 $0x1;
	_ =	shalt  }
.Lfunc_end2:
_tile_overlayer_lowered:
.L_overlay_start_2:
0x135: {  	(tag) =	ssettag $0x2  }
0x136: {  	s0 =	rddreg [dreg:$0x0];
	s2 =	stileid.u32  }
0x137: {  	s1 =	rddreg [dreg:$0x1];
	p0 =	sne.s32 s2, $0x0  }
0x138: {  	s3 =	rddreg [dreg:$0x2];
	[bflag:$0x3] =	sbarrier.arrive $0xFFFF;
	s2 =	simm.s32 @!p0 $0x1C04  }
0x139: {  	[timem:s3], [sflag:s2] =	dma.local @!p0 [hbm:s0], s1  }
0x13a: {  	s0 =	simm.s32 @!p0 $0x4  }
0x13b: {  	_ =	swait.ge @!p0 [sflag:s0], s1  }
0x13c: {  	s1 =	ssub.s32 @!p0 $0x0, s1;
	[sflag:s0] =	ssyncset.done @!p0 $0x0  }
0x13d: {  	[sflag:s0] =	ssyncadd.s32 @!p0 s1  }
0x13e: {  	[bflag:$0x3] =	sbarrier.arrive $0xFFFF  }
0x13f: {  	_ =	shalt  }

</sc_bundles>
